<compile_context>
chip_gen: v7x
topology: tpu7x:2x2x1
jax: 0.10.2.dev20260603
libtpu: 0.0.44.dev20260713+nightly
codegen_flags: <defaults>
</compile_context>

<pallas_src>
import functools

import jax
import jax.numpy as jnp
import numpy as np
from jax import lax
from jax.experimental import pallas as pl
from jax.experimental.pallas import tpu as pltpu
from jax.experimental.pallas import tpu_sc as plsc

N = 10000
E = 320000
D = 128
G = 64
C = 2
EPS = 1e-5

NC = 2
NS = 16
NW = NC * NS
EPT = E // NW
EPT_P = 10240
CH = 128
NCH = EPT_P // CH
HCH = NCH // 2
NPAD = 10112
RPT = NPAD // NS
ZR = 8

BN = 1000
NB = N // BN


def _deg_body(ei_hbm, out_hbm, dst_v, hist_v):
    c = lax.axis_index("c")
    s = lax.axis_index("s")
    wid = c * NS + s
    pltpu.sync_copy(ei_hbm.at[1, wid], dst_v)
    z16 = jnp.zeros((16,), jnp.float32)

    def zb(i, carry):
        hist_v[0, pl.ds(i * 16, 16)] = z16
        return carry

    lax.fori_loop(0, NPAD // 16, zb, 0)
    ones16 = jnp.ones((16,), jnp.float32)
    zeros_i = jnp.zeros((16,), jnp.int32)

    def body(r, carry):
        for k in range(8):
            idx = dst_v[r, pl.ds(k * 16, 16)]
            plsc.addupdate_scatter(hist_v, [zeros_i, idx], ones16)
        return carry

    lax.fori_loop(0, NCH, body, 0)
    pltpu.sync_copy(hist_v, out_hbm.at[wid])


def _msg_body(h_hbm, ei_hbm, out_hbm, src_v, dst_v, rows_a, rows_b, zbuf,
              acc_sh, sem_a, sem_b, sem_sa, sem_sb):
    c = lax.axis_index("c")
    s = lax.axis_index("s")
    wid = c * NS + s
    z16 = jnp.zeros((16,), jnp.float32)

    def zb(i, carry):
        zbuf[i // 8, pl.ds((i % 8) * 16, 16)] = z16
        return carry

    lax.fori_loop(0, ZR * (D // 16), zb, 0)

    def za(k, carry):
        pltpu.sync_copy(zbuf, acc_sh.at[pl.ds(s * RPT + k * ZR, ZR)])
        return carry

    lax.fori_loop(0, RPT // ZR, za, 0)
    plsc.subcore_barrier()

    def half(h):
        base = h * HCH
        pltpu.sync_copy(ei_hbm.at[0, wid, pl.ds(base, HCH)], src_v)
        pltpu.sync_copy(ei_hbm.at[1, wid, pl.ds(base, HCH)], dst_v)

        def body(i, carry):
            ca = 2 * i
            da = pltpu.async_copy(h_hbm.at[src_v.at[ca]], rows_a, sem_a)
            db = pltpu.async_copy(h_hbm.at[src_v.at[ca + 1]], rows_b, sem_b)
            da.wait()
            sa = pltpu.async_copy(rows_a, acc_sh.at[dst_v.at[ca]], sem_sa,
                                  add=True)
            db.wait()
            sb = pltpu.async_copy(rows_b, acc_sh.at[dst_v.at[ca + 1]],
                                  sem_sb, add=True)
            sa.wait()
            sb.wait()
            return carry

        lax.fori_loop(0, HCH // 2, body, 0)

    half(0)
    half(1)
    plsc.subcore_barrier()
    pltpu.sync_copy(acc_sh.at[pl.ds(s * RPT, RPT)],
                    out_hbm.at[c, pl.ds(s * RPT, RPT)])


@functools.lru_cache(maxsize=None)
def _sc_kernels():
    mesh = plsc.VectorSubcoreMesh(core_axis_name="c", subcore_axis_name="s",
                                  num_cores=NC, num_subcores=NS)
    deg = pl.kernel(
        _deg_body,
        out_type=jax.ShapeDtypeStruct((NW, 1, NPAD), jnp.float32),
        mesh=mesh,
        scratch_types=[
            pltpu.VMEM((NCH, CH), jnp.int32),
            pltpu.VMEM((1, NPAD), jnp.float32),
        ],
        compiler_params=pltpu.CompilerParams(needs_layout_passes=False),
    )
    msg = pl.kernel(
        _msg_body,
        out_type=jax.ShapeDtypeStruct((NC, NPAD, D), jnp.float32),
        mesh=mesh,
        scratch_types=[
            pltpu.VMEM((HCH, CH), jnp.int32),
            pltpu.VMEM((HCH, CH), jnp.int32),
            pltpu.VMEM((CH, D), jnp.float32),
            pltpu.VMEM((CH, D), jnp.float32),
            pltpu.VMEM((ZR, D), jnp.float32),
            pltpu.VMEM_SHARED((NPAD, D), jnp.float32),
            pltpu.SemaphoreType.DMA,
            pltpu.SemaphoreType.DMA,
            pltpu.SemaphoreType.DMA,
            pltpu.SemaphoreType.DMA,
        ],
    )
    return deg, msg



def _tc0_body(deg_ref, dinv_ref):
    deg = jnp.sum(deg_ref[...][:, 0, :N], axis=0) + 1.0
    dinv_ref[...] = lax.rsqrt(deg)[:, None]


def _tc0(deg_parts):
    return pl.pallas_call(
        _tc0_body,
        in_specs=[pl.BlockSpec((NW, 1, NPAD), lambda: (0, 0, 0))],
        out_specs=pl.BlockSpec((N, 1), lambda: (0, 0)),
        out_shape=jax.ShapeDtypeStruct((N, 1), jnp.float32),
    )(deg_parts)


def _tc1_body(dinv_ref, x_ref, w_ref, h_ref):
    h = jnp.dot(x_ref[...], w_ref[...], preferred_element_type=jnp.float32)
    h_ref[...] = h * dinv_ref[...]


def _tc1(dinv, x, W1):
    return pl.pallas_call(
        _tc1_body,
        grid=(NB,),
        in_specs=[
            pl.BlockSpec((BN, 1), lambda i: (i, 0)),
            pl.BlockSpec((BN, D), lambda i: (i, 0)),
            pl.BlockSpec((D, D), lambda i: (0, 0)),
        ],
        out_specs=pl.BlockSpec((BN, D), lambda i: (i, 0)),
        out_shape=jax.ShapeDtypeStruct((N, D), jnp.float32),
    )(dinv, x, W1)


def _onehot(batch_col):
    return (batch_col == lax.broadcasted_iota(jnp.int32, (BN, G), 1)
            ).astype(jnp.float32)


def _stats_body(s_ref, hp_ref, dinv_ref, b_ref, batch_ref,
                z_ref, sums_ref, sq_ref, cnt_ref):
    i = pl.program_id(0)
    z = dinv_ref[...] * (s_ref[0] + s_ref[1] + hp_ref[...]) + b_ref[...]
    z_ref[...] = z
    oh = _onehot(batch_ref[...])
    dn = (((0,), (0,)), ((), ()))
    hi = lax.Precision.HIGHEST
    ssum = lax.dot_general(oh, z, dn, precision=hi,
                           preferred_element_type=jnp.float32)
    ssq = lax.dot_general(oh, z * z, dn, precision=hi,
                          preferred_element_type=jnp.float32)
    scnt = jnp.sum(oh, axis=0)[:, None]

    @pl.when(i == 0)
    def _():
        sums_ref[...] = jnp.zeros_like(sums_ref)
        sq_ref[...] = jnp.zeros_like(sq_ref)
        cnt_ref[...] = jnp.zeros_like(cnt_ref)

    sums_ref[...] += ssum
    sq_ref[...] += ssq
    cnt_ref[...] += scnt


def _tc_stats(s_parts, hp, dinv, b, batch_col):
    return pl.pallas_call(
        _stats_body,
        grid=(NB,),
        in_specs=[
            pl.BlockSpec((NC, BN, D), lambda i: (0, i, 0)),
            pl.BlockSpec((BN, D), lambda i: (i, 0)),
            pl.BlockSpec((BN, 1), lambda i: (i, 0)),
            pl.BlockSpec((1, D), lambda i: (0, 0)),
            pl.BlockSpec((BN, 1), lambda i: (i, 0)),
        ],
        out_specs=[
            pl.BlockSpec((BN, D), lambda i: (i, 0)),
            pl.BlockSpec((G, D), lambda i: (0, 0)),
            pl.BlockSpec((G, D), lambda i: (0, 0)),
            pl.BlockSpec((G, 1), lambda i: (0, 0)),
        ],
        out_shape=[
            jax.ShapeDtypeStruct((N, D), jnp.float32),
            jax.ShapeDtypeStruct((G, D), jnp.float32),
            jax.ShapeDtypeStruct((G, D), jnp.float32),
            jax.ShapeDtypeStruct((G, 1), jnp.float32),
        ],
    )(s_parts, hp, dinv, b.reshape(1, D), batch_col)


def _norm_stats(sums, sq, cnt):
    cntc = jnp.maximum(cnt, 1.0)
    mean = sums / cntc
    var = sq / cntc - mean * mean
    scale = lax.rsqrt(var + EPS)
    return mean, scale


def _tc3_body(z_ref, batch_ref, sums_ref, sq_ref, cnt_ref, dinv_ref, w_ref,
              h2_ref):
    mean, scale = _norm_stats(sums_ref[...], sq_ref[...], cnt_ref[...])
    oh = _onehot(batch_ref[...])
    hi = lax.Precision.HIGHEST
    rmean = jnp.dot(oh, mean, precision=hi,
                    preferred_element_type=jnp.float32)
    rscale = jnp.dot(oh, scale, precision=hi,
                     preferred_element_type=jnp.float32)
    t = jnp.maximum((z_ref[...] - rmean) * rscale, 0.0)
    h2 = jnp.dot(t, w_ref[...], preferred_element_type=jnp.float32)
    h2_ref[...] = h2 * dinv_ref[...]


def _tc3(z, batch_col, sums, sq, cnt, dinv, W2):
    return pl.pallas_call(
        _tc3_body,
        grid=(NB,),
        in_specs=[
            pl.BlockSpec((BN, D), lambda i: (i, 0)),
            pl.BlockSpec((BN, 1), lambda i: (i, 0)),
            pl.BlockSpec((G, D), lambda i: (0, 0)),
            pl.BlockSpec((G, D), lambda i: (0, 0)),
            pl.BlockSpec((G, 1), lambda i: (0, 0)),
            pl.BlockSpec((BN, 1), lambda i: (i, 0)),
            pl.BlockSpec((D, D), lambda i: (0, 0)),
        ],
        out_specs=pl.BlockSpec((BN, D), lambda i: (i, 0)),
        out_shape=jax.ShapeDtypeStruct((N, D), jnp.float32),
    )(z, batch_col, sums, sq, cnt, dinv, W2)


def _tc5_body(z_ref, batch_ref, sums_ref, sq_ref, cnt_ref, fcw_ref, fcb_ref,
              out_ref, pooled):
    i = pl.program_id(0)
    mean, scale = _norm_stats(sums_ref[...], sq_ref[...], cnt_ref[...])
    oh = _onehot(batch_ref[...])
    hi = lax.Precision.HIGHEST
    rmean = jnp.dot(oh, mean, precision=hi,
                    preferred_element_type=jnp.float32)
    rscale = jnp.dot(oh, scale, precision=hi,
                     preferred_element_type=jnp.float32)
    t = jnp.maximum((z_ref[...] - rmean) * rscale, 0.0)
    dn = (((0,), (0,)), ((), ()))
    psum = lax.dot_general(oh, t, dn, precision=hi,
                           preferred_element_type=jnp.float32)

    @pl.when(i == 0)
    def _():
        pooled[...] = jnp.zeros_like(pooled)

    pooled[...] += psum

    @pl.when(i == NB - 1)
    def _():
        cntc = jnp.maximum(cnt_ref[...], 1.0)
        g = pooled[...] / cntc * np.float32(1.0 / np.sqrt(1.0 + EPS))
        out_ref[...] = (jnp.dot(g, fcw_ref[...],
                                preferred_element_type=jnp.float32)
                        + fcb_ref[...])


def _tc5(z2, batch_col, sums2, sq2, cnt, fc_W, fc_b):
    return pl.pallas_call(
        _tc5_body,
        grid=(NB,),
        in_specs=[
            pl.BlockSpec((BN, D), lambda i: (i, 0)),
            pl.BlockSpec((BN, 1), lambda i: (i, 0)),
            pl.BlockSpec((G, D), lambda i: (0, 0)),
            pl.BlockSpec((G, D), lambda i: (0, 0)),
            pl.BlockSpec((G, 1), lambda i: (0, 0)),
            pl.BlockSpec((D, C), lambda i: (0, 0)),
            pl.BlockSpec((1, C), lambda i: (0, 0)),
        ],
        out_specs=pl.BlockSpec((G, C), lambda i: (0, 0)),
        out_shape=jax.ShapeDtypeStruct((G, C), jnp.float32),
        scratch_shapes=[pltpu.VMEM((G, D), jnp.float32)],
    )(z2, batch_col, sums2, sq2, cnt, fc_W, fc_b.reshape(1, C))



def kernel(x, edge_index, batch, W1, b1, W2, b2, fc_W, fc_b):
    ei = edge_index.astype(jnp.int32)
    pad = EPT_P - EPT
    pad_dst = N + (jnp.arange(NW * pad, dtype=jnp.int32) % (NPAD - N))
    src_p = jnp.pad(ei[0].reshape(NW, EPT), ((0, 0), (0, pad)))
    dst_p = jnp.concatenate(
        [ei[1].reshape(NW, EPT), pad_dst.reshape(NW, pad)], axis=1)
    epad = jnp.stack([src_p, dst_p]).reshape(2, NW, NCH, CH)
    batch_col = batch.astype(jnp.int32).reshape(N, 1)

    deg_kernel, msg_kernel = _sc_kernels()
    deg_parts = deg_kernel(epad)
    dinv = _tc0(deg_parts)
    h1p = _tc1(dinv, x, W1)
    s1 = msg_kernel(h1p, epad)
    z1, sums1, sq1, cnt = _tc_stats(s1, h1p, dinv, b1, batch_col)
    h2p = _tc3(z1, batch_col, sums1, sq1, cnt, dinv, W2)
    s2 = msg_kernel(h2p, epad)
    z2, sums2, sq2, _ = _tc_stats(s2, h2p, dinv, b2, batch_col)
    return _tc5(z2, batch_col, sums2, sq2, cnt, fc_W, fc_b)

# --- scband reference (transcript-rebuilt; emitter-appended) ---
"""Pipeline reference for scband-graph-conv-classifier-25640954757642 (READ-ONLY COPY).

The authoritative reference and input builder live on the scoring server;
editing this copy changes nothing except your own understanding.
"""

import jax, jax.numpy as jnp
import numpy as np

N = 10000
E = 320000
D = 128
H = 128
G = 64
C = 2
EPS = 1e-5


def setup_inputs(seed: int = 0) -> dict:
    key = jax.random.key(seed)
    ks = jax.random.split(key, 10)
    x = jax.random.normal(ks[0], (N, D), dtype=jnp.float32)
    edge_index = jax.random.randint(ks[1], (2, E), 0, N, dtype=jnp.int64)
    batch = jnp.sort(jax.random.randint(ks[2], (N,), 0, G, dtype=jnp.int64))
    W1 = jax.random.normal(ks[3], (D, H), dtype=jnp.float32) * (1.0 / np.sqrt(D))
    b1 = jnp.zeros((H,), dtype=jnp.float32)
    W2 = jax.random.normal(ks[4], (H, H), dtype=jnp.float32) * (1.0 / np.sqrt(H))
    b2 = jnp.zeros((H,), dtype=jnp.float32)
    fc_W = jax.random.normal(ks[5], (H, C), dtype=jnp.float32) * (1.0 / np.sqrt(H))
    fc_b = jnp.zeros((C,), dtype=jnp.float32)
    return {"x": x, "edge_index": edge_index, "batch": batch,
            "W1": W1, "b1": b1, "W2": W2, "b2": b2, "fc_W": fc_W, "fc_b": fc_b}


def _gcn_conv(x, edge_index, W, b):
    n = x.shape[0]
    loop = jnp.arange(n, dtype=edge_index.dtype)
    src = jnp.concatenate([edge_index[0], loop])
    dst = jnp.concatenate([edge_index[1], loop])
    deg = jnp.zeros((n,), dtype=x.dtype).at[dst].add(1.0)
    dinv = jnp.where(deg > 0, deg ** -0.5, 0.0)
    norm = dinv[src] * dinv[dst]
    h = x @ W
    msg = h[src] * norm[:, None]
    out = jax.ops.segment_sum(msg, dst, num_segments=n)
    return out + b


def _instance_norm(x, batch, num_graphs):
    cnt = jax.ops.segment_sum(jnp.ones((x.shape[0],), dtype=x.dtype), batch, num_segments=num_graphs)
    cnt = jnp.clip(cnt, 1.0)
    mean = jax.ops.segment_sum(x, batch, num_segments=num_graphs) / cnt[:, None]
    xc = x - mean[batch]
    var = jax.ops.segment_sum(xc * xc, batch, num_segments=num_graphs) / cnt[:, None]
    return xc / jnp.sqrt(var[batch] + EPS)


def _global_mean_pool(x, batch, num_graphs):
    cnt = jax.ops.segment_sum(jnp.ones((x.shape[0],), dtype=x.dtype), batch, num_segments=num_graphs)
    cnt = jnp.clip(cnt, 1.0)
    s = jax.ops.segment_sum(x, batch, num_segments=num_graphs)
    return s / cnt[:, None]


def reference(x, edge_index, batch, W1, b1, W2, b2, fc_W, fc_b):
    h = _gcn_conv(x, edge_index, W1, b1)
    h = _instance_norm(h, batch, G)
    h = jax.nn.relu(h)
    # dropout: identity in eval mode
    h = _gcn_conv(h, edge_index, W2, b2)
    h = _instance_norm(h, batch, G)
    h = jax.nn.relu(h)
    g = _global_mean_pool(h, batch, G)
    # BatchNorm1d in eval mode with init running stats (mean=0, var=1), affine w=1 b=0
    g = g / jnp.sqrt(1.0 + EPS)
    out = g @ fc_W + fc_b
    return out

if __name__ == "__main__":
    import jax
    _d = setup_inputs()
    print(jax.jit(kernel)(*tuple(_d.values())))

</pallas_src>

<mosaic_0001>
#map = affine_map<(d0, d1) -> (0, 0)>
#map1 = affine_map<(d0, d1) -> (0, 0, 0, 0)>
#map2 = affine_map<(d0, d1) -> (0, 0, 0)>
module attributes {stable_mosaic.version = 14 : i64} {
  func.func @_msg_body(%arg0: i32, %arg1: i32, %arg2: memref<10000x128xf32, #tpu.memory_space<hbm>>, %arg3: memref<2x32x80x128xi32, #tpu.memory_space<hbm>>, %arg4: memref<2x10112x128xf32, #tpu.memory_space<hbm>>, %arg5: memref<40x128xi32, #tpu.memory_space<vmem>>, %arg6: memref<40x128xi32, #tpu.memory_space<vmem>>, %arg7: memref<128x128xf32, #tpu.memory_space<vmem>>, %arg8: memref<128x128xf32, #tpu.memory_space<vmem>>, %arg9: memref<8x128xf32, #tpu.memory_space<vmem>>, %arg10: memref<10112x128xf32, #tpu.memory_space<vmem_shared>>, %arg11: memref<!tpu.dma_semaphore, #tpu.memory_space<semaphore_mem>>, %arg12: memref<!tpu.dma_semaphore, #tpu.memory_space<semaphore_mem>>, %arg13: memref<!tpu.dma_semaphore, #tpu.memory_space<semaphore_mem>>, %arg14: memref<!tpu.dma_semaphore, #tpu.memory_space<semaphore_mem>>) attributes {dimension_semantics = [#tpu.dimension_semantics<core_parallel>, #tpu.dimension_semantics<subcore_parallel>], iteration_bounds = array<i64: 2, 16>, scalar_prefetch = 0 : i64, scratch_operands = 10 : i64, tpu.core_type = #tpu.core_type<sc_vector_subcore>, window_params = [{transform_indices = #map}, {transform_indices = #map1}, {transform_indices = #map2}]} {
    %mul3A = arith.constant 16 : i32
    %mul3A_0 = arith.muli %arg0, %mul3A : i32
    %add3A = arith.addi %mul3A_0, %arg1 : i32
    %broadcast_in_dim3A = arith.constant 0.000000e+00 : f32
    %broadcast_in_dim3A_1 = vector.broadcast %broadcast_in_dim3A : f32 to vector<16xf32>
    %scan3A = arith.constant 0 : i32
    %scan3A_2 = arith.constant 0 : i32
    %scan3A_3 = arith.constant 64 : i32
    %scan3A_4 = arith.addi %scan3A_2, %scan3A_3 : i32
    %scan3A_5 = arith.constant 1 : i32
    scf.for %scan3A_33 = %scan3A_2 to %scan3A_4 step %scan3A_5  : i32 {
      %jit3A = arith.constant 8 : i32
      %div3A = arith.divsi %scan3A_33, %jit3A : i32
      %sign3A = arith.constant 0 : i32
      %sign3A_34 = arith.cmpi sgt, %scan3A_33, %sign3A : i32
      %sign3A_35 = arith.extui %sign3A_34 : i1 to i32
      %sign3A_36 = arith.constant 0 : i32
      %sign3A_37 = arith.cmpi slt, %scan3A_33, %sign3A_36 : i32
      %sign3A_38 = arith.extui %sign3A_37 : i1 to i32
      %sign3A_39 = arith.subi %sign3A_35, %sign3A_38 : i32
      %sign3A_40 = arith.constant 0 : i32
      %sign3A_41 = arith.cmpi sgt, %jit3A, %sign3A_40 : i32
      %sign3A_42 = arith.extui %sign3A_41 : i1 to i32
      %sign3A_43 = arith.constant 0 : i32
      %sign3A_44 = arith.cmpi slt, %jit3A, %sign3A_43 : i32
      %sign3A_45 = arith.extui %sign3A_44 : i1 to i32
      %sign3A_46 = arith.subi %sign3A_42, %sign3A_45 : i32
      %ne3A = arith.cmpi ne, %sign3A_39, %sign3A_46 : i32
      %rem3A = arith.remsi %scan3A_33, %jit3A : i32
      %ne3A_47 = arith.constant 0 : i32
      %ne3A_48 = arith.cmpi ne, %rem3A, %ne3A_47 : i32
      %and3A = arith.andi %ne3A, %ne3A_48 : i1
      %sub3A = arith.constant 1 : i32
      %sub3A_49 = arith.subi %div3A, %sub3A : i32
      %select_n3A = arith.select %and3A, %sub3A_49, %div3A : i32
      %jit3A_50 = arith.constant 8 : i32
      %eq3A = arith.constant 0 : i32
      %eq3A_51 = arith.cmpi eq, %jit3A_50, %eq3A : i32
      %jit3A_52 = arith.constant 1 : i32
      %select_n3A_53 = arith.select %eq3A_51, %jit3A_52, %jit3A_50 : i32
      %rem3A_54 = arith.remsi %scan3A_33, %select_n3A_53 : i32
      %ne3A_55 = arith.constant 0 : i32
      %ne3A_56 = arith.cmpi ne, %rem3A_54, %ne3A_55 : i32
      %lt3A = arith.constant 0 : i32
      %lt3A_57 = arith.cmpi slt, %rem3A_54, %lt3A : i32
      %lt3A_58 = arith.constant 0 : i32
      %lt3A_59 = arith.cmpi slt, %select_n3A_53, %lt3A_58 : i32
      %ne3A_60 = arith.xori %lt3A_57, %lt3A_59 : i1
      %and3A_61 = arith.andi %ne3A_60, %ne3A_56 : i1
      %add3A_62 = arith.addi %rem3A_54, %select_n3A_53 : i32
      %select_n3A_63 = arith.select %and3A_61, %add3A_62, %rem3A_54 : i32
      %mul3A_64 = arith.constant 16 : i32
      %mul3A_65 = arith.muli %select_n3A_63, %mul3A_64 : i32
      %swap3A = arith.index_cast %select_n3A : i32 to index
      %swap3A_66 = arith.index_cast %mul3A_65 : i32 to index
      %swap3A_67 = tpu.vector_load %arg9[%swap3A, %swap3A_66] {strides = array<i32>} : memref<8x128xf32, #tpu.memory_space<vmem>>, vector<1x16xf32>,
      %swap3A_68 = vector.shape_cast %swap3A_67 : vector<1x16xf32> to vector<16xf32>
      %swap3A_69 = vector.shape_cast %broadcast_in_dim3A_1 : vector<16xf32> to vector<1x16xf32>
      tpu.vector_store %arg9[%swap3A, %swap3A_66], %swap3A_69 {strides = array<i32>} : memref<8x128xf32, #tpu.memory_space<vmem>>, vector<1x16xf32>,
    }
    %scan3A_6 = arith.constant 64 : i32
    %scan3A_7 = arith.constant 0 : i32
    %scan3A_8 = arith.constant 0 : i32
    %scan3A_9 = arith.constant 79 : i32
    %scan3A_10 = arith.addi %scan3A_8, %scan3A_9 : i32
    %scan3A_11 = arith.constant 1 : i32
    scf.for %scan3A_33 = %scan3A_8 to %scan3A_10 step %scan3A_11  : i32 {
      %mul3A_34 = arith.constant 632 : i32
      %mul3A_35 = arith.muli %arg1, %mul3A_34 : i32
      %mul3A_36 = arith.constant 8 : i32
      %mul3A_37 = arith.muli %scan3A_33, %mul3A_36 : i32
      %add3A_38 = arith.addi %mul3A_35, %mul3A_37 : i32
      "tpu.region"() ({
        %run_scoped3A_39 = tpu.sem_alloc : memref<!tpu.dma_semaphore, #tpu.memory_space<semaphore_mem>>
        %dma_start3A = arith.constant 0 : i32
        %dma_start3A_40 = tpu.memref_slice %arg10[%add3A_38, %dma_start3A] : memref<10112x128xf32, #tpu.memory_space<vmem_shared>> -> memref<8x128xf32, #tpu.memory_space<vmem_shared>>
        %dma_start3A_41 = arith.constant 0 : i32
        %dma_start3A_42 = tpu.memref_slice %arg10[%add3A_38, %dma_start3A_41] : memref<10112x128xf32, #tpu.memory_space<vmem_shared>> -> memref<8x128xf32, #tpu.memory_space<vmem_shared>>
        tpu.enqueue_dma source(%arg9 : memref<8x128xf32, #tpu.memory_space<vmem>>) target(%dma_start3A_42 : memref<8x128xf32, #tpu.memory_space<vmem_shared>>) target_semaphore(%run_scoped3A_39 : memref<!tpu.dma_semaphore, #tpu.memory_space<semaphore_mem>>)
        %dma_wait3A = arith.constant 0 : i32
        %dma_wait3A_43 = tpu.memref_slice %arg10[%add3A_38, %dma_wait3A] : memref<10112x128xf32, #tpu.memory_space<vmem_shared>> -> memref<8x128xf32, #tpu.memory_space<vmem_shared>>
        %dma_wait3A_44 = arith.constant 0 : i32
        %dma_wait3A_45 = tpu.memref_slice %arg10[%add3A_38, %dma_wait3A_44] : memref<10112x128xf32, #tpu.memory_space<vmem_shared>> -> memref<8x128xf32, #tpu.memory_space<vmem_shared>>
        tpu.wait_dma2 semaphore(%run_scoped3A_39 : memref<!tpu.dma_semaphore, #tpu.memory_space<semaphore_mem>>) src(%arg9 : memref<8x128xf32, #tpu.memory_space<vmem>>) dst(%dma_wait3A_45 : memref<8x128xf32, #tpu.memory_space<vmem_shared>>)
        tpu.yield
      }) : () -> ()
    }
    %scan3A_12 = arith.constant 79 : i32
    %barrier3A = arith.constant 0 : index
    tpu.barrier barrier_id(%barrier3A)
    %run_scoped3A = arith.constant 0 : i32
    "tpu.region"() ({
      %run_scoped3A_33 = tpu.sem_alloc : memref<!tpu.dma_semaphore, #tpu.memory_space<semaphore_mem>>
      %dma_start3A = arith.constant 0 : i32
      %dma_start3A_34 = arith.constant 0 : i32
      %dma_start3A_35 = tpu.memref_slice %arg3[%run_scoped3A, %add3A, %dma_start3A, %dma_start3A_34] : memref<2x32x80x128xi32, #tpu.memory_space<hbm>> -> memref<1x1x40x128xi32, #tpu.memory_space<hbm>>
      %dma_start3A_36 = tpu.memref_squeeze %dma_start3A_35 : memref<1x1x40x128xi32, #tpu.memory_space<hbm>> -> memref<40x128xi32, #tpu.memory_space<hbm>>
      %dma_start3A_37 = arith.constant 0 : i32
      %dma_start3A_38 = arith.constant 0 : i32
      %dma_start3A_39 = tpu.memref_slice %arg3[%run_scoped3A, %add3A, %dma_start3A_37, %dma_start3A_38] : memref<2x32x80x128xi32, #tpu.memory_space<hbm>> -> memref<1x1x40x128xi32, #tpu.memory_space<hbm>>
      %dma_start3A_40 = tpu.memref_squeeze %dma_start3A_39 : memref<1x1x40x128xi32, #tpu.memory_space<hbm>> -> memref<40x128xi32, #tpu.memory_space<hbm>>
      tpu.enqueue_dma source(%dma_start3A_40 : memref<40x128xi32, #tpu.memory_space<hbm>>) target(%arg5 : memref<40x128xi32, #tpu.memory_space<vmem>>) target_semaphore(%run_scoped3A_33 : memref<!tpu.dma_semaphore, #tpu.memory_space<semaphore_mem>>)
      %dma_wait3A = arith.constant 0 : i32
      %dma_wait3A_41 = arith.constant 0 : i32
      %dma_wait3A_42 = tpu.memref_slice %arg3[%run_scoped3A, %add3A, %dma_wait3A, %dma_wait3A_41] : memref<2x32x80x128xi32, #tpu.memory_space<hbm>> -> memref<1x1x40x128xi32, #tpu.memory_space<hbm>>
      %dma_wait3A_43 = tpu.memref_squeeze %dma_wait3A_42 : memref<1x1x40x128xi32, #tpu.memory_space<hbm>> -> memref<40x128xi32, #tpu.memory_space<hbm>>
      %dma_wait3A_44 = arith.constant 0 : i32
      %dma_wait3A_45 = arith.constant 0 : i32
      %dma_wait3A_46 = tpu.memref_slice %arg3[%run_scoped3A, %add3A, %dma_wait3A_44, %dma_wait3A_45] : memref<2x32x80x128xi32, #tpu.memory_space<hbm>> -> memref<1x1x40x128xi32, #tpu.memory_space<hbm>>
      %dma_wait3A_47 = tpu.memref_squeeze %dma_wait3A_46 : memref<1x1x40x128xi32, #tpu.memory_space<hbm>> -> memref<40x128xi32, #tpu.memory_space<hbm>>
      tpu.wait_dma2 semaphore(%run_scoped3A_33 : memref<!tpu.dma_semaphore, #tpu.memory_space<semaphore_mem>>) src(%dma_wait3A_47 : memref<40x128xi32, #tpu.memory_space<hbm>>) dst(%arg5 : memref<40x128xi32, #tpu.memory_space<vmem>>)
      tpu.yield
    }) : () -> ()
    %run_scoped3A_13 = arith.constant 1 : i32
    "tpu.region"() ({
      %run_scoped3A_33 = tpu.sem_alloc : memref<!tpu.dma_semaphore, #tpu.memory_space<semaphore_mem>>
      %dma_start3A = arith.constant 0 : i32
      %dma_start3A_34 = arith.constant 0 : i32
      %dma_start3A_35 = tpu.memref_slice %arg3[%run_scoped3A_13, %add3A, %dma_start3A, %dma_start3A_34] : memref<2x32x80x128xi32, #tpu.memory_space<hbm>> -> memref<1x1x40x128xi32, #tpu.memory_space<hbm>>
      %dma_start3A_36 = tpu.memref_squeeze %dma_start3A_35 : memref<1x1x40x128xi32, #tpu.memory_space<hbm>> -> memref<40x128xi32, #tpu.memory_space<hbm>>
      %dma_start3A_37 = arith.constant 0 : i32
      %dma_start3A_38 = arith.constant 0 : i32
      %dma_start3A_39 = tpu.memref_slice %arg3[%run_scoped3A_13, %add3A, %dma_start3A_37, %dma_start3A_38] : memref<2x32x80x128xi32, #tpu.memory_space<hbm>> -> memref<1x1x40x128xi32, #tpu.memory_space<hbm>>
      %dma_start3A_40 = tpu.memref_squeeze %dma_start3A_39 : memref<1x1x40x128xi32, #tpu.memory_space<hbm>> -> memref<40x128xi32, #tpu.memory_space<hbm>>
      tpu.enqueue_dma source(%dma_start3A_40 : memref<40x128xi32, #tpu.memory_space<hbm>>) target(%arg6 : memref<40x128xi32, #tpu.memory_space<vmem>>) target_semaphore(%run_scoped3A_33 : memref<!tpu.dma_semaphore, #tpu.memory_space<semaphore_mem>>)
      %dma_wait3A = arith.constant 0 : i32
      %dma_wait3A_41 = arith.constant 0 : i32
      %dma_wait3A_42 = tpu.memref_slice %arg3[%run_scoped3A_13, %add3A, %dma_wait3A, %dma_wait3A_41] : memref<2x32x80x128xi32, #tpu.memory_space<hbm>> -> memref<1x1x40x128xi32, #tpu.memory_space<hbm>>
      %dma_wait3A_43 = tpu.memref_squeeze %dma_wait3A_42 : memref<1x1x40x128xi32, #tpu.memory_space<hbm>> -> memref<40x128xi32, #tpu.memory_space<hbm>>
      %dma_wait3A_44 = arith.constant 0 : i32
      %dma_wait3A_45 = arith.constant 0 : i32
      %dma_wait3A_46 = tpu.memref_slice %arg3[%run_scoped3A_13, %add3A, %dma_wait3A_44, %dma_wait3A_45] : memref<2x32x80x128xi32, #tpu.memory_space<hbm>> -> memref<1x1x40x128xi32, #tpu.memory_space<hbm>>
      %dma_wait3A_47 = tpu.memref_squeeze %dma_wait3A_46 : memref<1x1x40x128xi32, #tpu.memory_space<hbm>> -> memref<40x128xi32, #tpu.memory_space<hbm>>
      tpu.wait_dma2 semaphore(%run_scoped3A_33 : memref<!tpu.dma_semaphore, #tpu.memory_space<semaphore_mem>>) src(%dma_wait3A_47 : memref<40x128xi32, #tpu.memory_space<hbm>>) dst(%arg6 : memref<40x128xi32, #tpu.memory_space<vmem>>)
      tpu.yield
    }) : () -> ()
    %scan3A_14 = arith.constant 0 : i32
    %scan3A_15 = arith.constant 0 : i32
    %scan3A_16 = arith.constant 20 : i32
    %scan3A_17 = arith.addi %scan3A_15, %scan3A_16 : i32
    %scan3A_18 = arith.constant 1 : i32
    scf.for %scan3A_33 = %scan3A_15 to %scan3A_17 step %scan3A_18  : i32 {
      %mul3A_34 = arith.constant 2 : i32
      %mul3A_35 = arith.muli %mul3A_34, %scan3A_33 : i32
      %dma_start3A = arith.constant 0 : i32
      %dma_start3A_36 = tpu.memref_slice %arg5[%mul3A_35, %dma_start3A] : memref<40x128xi32, #tpu.memory_space<vmem>> -> memref<1x128xi32, #tpu.memory_space<vmem>>
      %dma_start3A_37 = tpu.memref_squeeze %dma_start3A_36 : memref<1x128xi32, #tpu.memory_space<vmem>> -> memref<128xi32, #tpu.memory_space<vmem>>
      %dma_start3A_38 = arith.constant 0 : i32
      %dma_start3A_39 = arith.constant 0 : i32
      %dma_start3A_40 = tpu.memref_slice %arg2[%dma_start3A_38, %dma_start3A_39] : memref<10000x128xf32, #tpu.memory_space<hbm>> -> memref<10000x128xf32, #tpu.memory_space<hbm>>
      tpu.enqueue_indirect_dma source(%dma_start3A_40 : memref<10000x128xf32, #tpu.memory_space<hbm>>) target(%arg7 : memref<128x128xf32, #tpu.memory_space<vmem>>) offsets(%dma_start3A_37 : memref<128xi32, #tpu.memory_space<vmem>>) semaphore(%arg11 : memref<!tpu.dma_semaphore, #tpu.memory_space<semaphore_mem>>)
      %add3A_41 = arith.constant 1 : i32
      %add3A_42 = arith.addi %mul3A_35, %add3A_41 : i32
      %dma_start3A_43 = arith.constant 0 : i32
      %dma_start3A_44 = tpu.memref_slice %arg5[%add3A_42, %dma_start3A_43] : memref<40x128xi32, #tpu.memory_space<vmem>> -> memref<1x128xi32, #tpu.memory_space<vmem>>
      %dma_start3A_45 = tpu.memref_squeeze %dma_start3A_44 : memref<1x128xi32, #tpu.memory_space<vmem>> -> memref<128xi32, #tpu.memory_space<vmem>>
      %dma_start3A_46 = arith.constant 0 : i32
      %dma_start3A_47 = arith.constant 0 : i32
      %dma_start3A_48 = tpu.memref_slice %arg2[%dma_start3A_46, %dma_start3A_47] : memref<10000x128xf32, #tpu.memory_space<hbm>> -> memref<10000x128xf32, #tpu.memory_space<hbm>>
      tpu.enqueue_indirect_dma source(%dma_start3A_48 : memref<10000x128xf32, #tpu.memory_space<hbm>>) target(%arg8 : memref<128x128xf32, #tpu.memory_space<vmem>>) offsets(%dma_start3A_45 : memref<128xi32, #tpu.memory_space<vmem>>) semaphore(%arg12 : memref<!tpu.dma_semaphore, #tpu.memory_space<semaphore_mem>>)
      %dma_wait3A = arith.constant 0 : i32
      %dma_wait3A_49 = tpu.memref_slice %arg5[%mul3A_35, %dma_wait3A] : memref<40x128xi32, #tpu.memory_space<vmem>> -> memref<1x128xi32, #tpu.memory_space<vmem>>
      %dma_wait3A_50 = tpu.memref_squeeze %dma_wait3A_49 : memref<1x128xi32, #tpu.memory_space<vmem>> -> memref<128xi32, #tpu.memory_space<vmem>>
      %dma_wait3A_51 = arith.constant 0 : i32
      %dma_wait3A_52 = arith.constant 0 : i32
      %dma_wait3A_53 = tpu.memref_slice %arg2[%dma_wait3A_51, %dma_wait3A_52] : memref<10000x128xf32, #tpu.memory_space<hbm>> -> memref<10000x128xf32, #tpu.memory_space<hbm>>
      tpu.wait_indirect_dma semaphore(%arg11 : memref<!tpu.dma_semaphore, #tpu.memory_space<semaphore_mem>>) src(%dma_wait3A_53 : memref<10000x128xf32, #tpu.memory_space<hbm>>) dst(%arg7 : memref<128x128xf32, #tpu.memory_space<vmem>>)
      %dma_start3A_54 = arith.constant 0 : i32
      %dma_start3A_55 = tpu.memref_slice %arg6[%mul3A_35, %dma_start3A_54] : memref<40x128xi32, #tpu.memory_space<vmem>> -> memref<1x128xi32, #tpu.memory_space<vmem>>
      %dma_start3A_56 = tpu.memref_squeeze %dma_start3A_55 : memref<1x128xi32, #tpu.memory_space<vmem>> -> memref<128xi32, #tpu.memory_space<vmem>>
      %dma_start3A_57 = arith.constant 0 : i32
      %dma_start3A_58 = arith.constant 0 : i32
      %dma_start3A_59 = tpu.memref_slice %arg10[%dma_start3A_57, %dma_start3A_58] : memref<10112x128xf32, #tpu.memory_space<vmem_shared>> -> memref<10112x128xf32, #tpu.memory_space<vmem_shared>>
      tpu.enqueue_indirect_dma source(%arg7 : memref<128x128xf32, #tpu.memory_space<vmem>>) target(%dma_start3A_59 : memref<10112x128xf32, #tpu.memory_space<vmem_shared>>) offsets(%dma_start3A_56 : memref<128xi32, #tpu.memory_space<vmem>>) semaphore(%arg13 : memref<!tpu.dma_semaphore, #tpu.memory_space<semaphore_mem>>) {add = true}
      %dma_wait3A_60 = arith.constant 0 : i32
      %dma_wait3A_61 = tpu.memref_slice %arg5[%add3A_42, %dma_wait3A_60] : memref<40x128xi32, #tpu.memory_space<vmem>> -> memref<1x128xi32, #tpu.memory_space<vmem>>
      %dma_wait3A_62 = tpu.memref_squeeze %dma_wait3A_61 : memref<1x128xi32, #tpu.memory_space<vmem>> -> memref<128xi32, #tpu.memory_space<vmem>>
      %dma_wait3A_63 = arith.constant 0 : i32
      %dma_wait3A_64 = arith.constant 0 : i32
      %dma_wait3A_65 = tpu.memref_slice %arg2[%dma_wait3A_63, %dma_wait3A_64] : memref<10000x128xf32, #tpu.memory_space<hbm>> -> memref<10000x128xf32, #tpu.memory_space<hbm>>
      tpu.wait_indirect_dma semaphore(%arg12 : memref<!tpu.dma_semaphore, #tpu.memory_space<semaphore_mem>>) src(%dma_wait3A_65 : memref<10000x128xf32, #tpu.memory_space<hbm>>) dst(%arg8 : memref<128x128xf32, #tpu.memory_space<vmem>>)
      %add3A_66 = arith.constant 1 : i32
      %add3A_67 = arith.addi %mul3A_35, %add3A_66 : i32
      %dma_start3A_68 = arith.constant 0 : i32
      %dma_start3A_69 = tpu.memref_slice %arg6[%add3A_67, %dma_start3A_68] : memref<40x128xi32, #tpu.memory_space<vmem>> -> memref<1x128xi32, #tpu.memory_space<vmem>>
      %dma_start3A_70 = tpu.memref_squeeze %dma_start3A_69 : memref<1x128xi32, #tpu.memory_space<vmem>> -> memref<128xi32, #tpu.memory_space<vmem>>
      %dma_start3A_71 = arith.constant 0 : i32
      %dma_start3A_72 = arith.constant 0 : i32
      %dma_start3A_73 = tpu.memref_slice %arg10[%dma_start3A_71, %dma_start3A_72] : memref<10112x128xf32, #tpu.memory_space<vmem_shared>> -> memref<10112x128xf32, #tpu.memory_space<vmem_shared>>
      tpu.enqueue_indirect_dma source(%arg8 : memref<128x128xf32, #tpu.memory_space<vmem>>) target(%dma_start3A_73 : memref<10112x128xf32, #tpu.memory_space<vmem_shared>>) offsets(%dma_start3A_70 : memref<128xi32, #tpu.memory_space<vmem>>) semaphore(%arg14 : memref<!tpu.dma_semaphore, #tpu.memory_space<semaphore_mem>>) {add = true}
      %dma_wait3A_74 = arith.constant 0 : i32
      %dma_wait3A_75 = tpu.memref_slice %arg6[%mul3A_35, %dma_wait3A_74] : memref<40x128xi32, #tpu.memory_space<vmem>> -> memref<1x128xi32, #tpu.memory_space<vmem>>
      %dma_wait3A_76 = tpu.memref_squeeze %dma_wait3A_75 : memref<1x128xi32, #tpu.memory_space<vmem>> -> memref<128xi32, #tpu.memory_space<vmem>>
      %dma_wait3A_77 = arith.constant 0 : i32
      %dma_wait3A_78 = arith.constant 0 : i32
      %dma_wait3A_79 = tpu.memref_slice %arg10[%dma_wait3A_77, %dma_wait3A_78] : memref<10112x128xf32, #tpu.memory_space<vmem_shared>> -> memref<10112x128xf32, #tpu.memory_space<vmem_shared>>
      tpu.wait_indirect_dma semaphore(%arg13 : memref<!tpu.dma_semaphore, #tpu.memory_space<semaphore_mem>>) src(%arg7 : memref<128x128xf32, #tpu.memory_space<vmem>>) dst(%dma_wait3A_79 : memref<10112x128xf32, #tpu.memory_space<vmem_shared>>)
      %dma_wait3A_80 = arith.constant 0 : i32
      %dma_wait3A_81 = tpu.memref_slice %arg6[%add3A_67, %dma_wait3A_80] : memref<40x128xi32, #tpu.memory_space<vmem>> -> memref<1x128xi32, #tpu.memory_space<vmem>>
      %dma_wait3A_82 = tpu.memref_squeeze %dma_wait3A_81 : memref<1x128xi32, #tpu.memory_space<vmem>> -> memref<128xi32, #tpu.memory_space<vmem>>
      %dma_wait3A_83 = arith.constant 0 : i32
      %dma_wait3A_84 = arith.constant 0 : i32
      %dma_wait3A_85 = tpu.memref_slice %arg10[%dma_wait3A_83, %dma_wait3A_84] : memref<10112x128xf32, #tpu.memory_space<vmem_shared>> -> memref<10112x128xf32, #tpu.memory_space<vmem_shared>>
      tpu.wait_indirect_dma semaphore(%arg14 : memref<!tpu.dma_semaphore, #tpu.memory_space<semaphore_mem>>) src(%arg8 : memref<128x128xf32, #tpu.memory_space<vmem>>) dst(%dma_wait3A_85 : memref<10112x128xf32, #tpu.memory_space<vmem_shared>>)
    }
    %scan3A_19 = arith.constant 20 : i32
    %run_scoped3A_20 = arith.constant 0 : i32
    "tpu.region"() ({
      %run_scoped3A_33 = tpu.sem_alloc : memref<!tpu.dma_semaphore, #tpu.memory_space<semaphore_mem>>
      %dma_start3A = arith.constant 40 : i32
      %dma_start3A_34 = arith.constant 0 : i32
      %dma_start3A_35 = tpu.memref_slice %arg3[%run_scoped3A_20, %add3A, %dma_start3A, %dma_start3A_34] : memref<2x32x80x128xi32, #tpu.memory_space<hbm>> -> memref<1x1x40x128xi32, #tpu.memory_space<hbm>>
      %dma_start3A_36 = tpu.memref_squeeze %dma_start3A_35 : memref<1x1x40x128xi32, #tpu.memory_space<hbm>> -> memref<40x128xi32, #tpu.memory_space<hbm>>
      %dma_start3A_37 = arith.constant 40 : i32
      %dma_start3A_38 = arith.constant 0 : i32
      %dma_start3A_39 = tpu.memref_slice %arg3[%run_scoped3A_20, %add3A, %dma_start3A_37, %dma_start3A_38] : memref<2x32x80x128xi32, #tpu.memory_space<hbm>> -> memref<1x1x40x128xi32, #tpu.memory_space<hbm>>
      %dma_start3A_40 = tpu.memref_squeeze %dma_start3A_39 : memref<1x1x40x128xi32, #tpu.memory_space<hbm>> -> memref<40x128xi32, #tpu.memory_space<hbm>>
      tpu.enqueue_dma source(%dma_start3A_40 : memref<40x128xi32, #tpu.memory_space<hbm>>) target(%arg5 : memref<40x128xi32, #tpu.memory_space<vmem>>) target_semaphore(%run_scoped3A_33 : memref<!tpu.dma_semaphore, #tpu.memory_space<semaphore_mem>>)
      %dma_wait3A = arith.constant 40 : i32
      %dma_wait3A_41 = arith.constant 0 : i32
      %dma_wait3A_42 = tpu.memref_slice %arg3[%run_scoped3A_20, %add3A, %dma_wait3A, %dma_wait3A_41] : memref<2x32x80x128xi32, #tpu.memory_space<hbm>> -> memref<1x1x40x128xi32, #tpu.memory_space<hbm>>
      %dma_wait3A_43 = tpu.memref_squeeze %dma_wait3A_42 : memref<1x1x40x128xi32, #tpu.memory_space<hbm>> -> memref<40x128xi32, #tpu.memory_space<hbm>>
      %dma_wait3A_44 = arith.constant 40 : i32
      %dma_wait3A_45 = arith.constant 0 : i32
      %dma_wait3A_46 = tpu.memref_slice %arg3[%run_scoped3A_20, %add3A, %dma_wait3A_44, %dma_wait3A_45] : memref<2x32x80x128xi32, #tpu.memory_space<hbm>> -> memref<1x1x40x128xi32, #tpu.memory_space<hbm>>
      %dma_wait3A_47 = tpu.memref_squeeze %dma_wait3A_46 : memref<1x1x40x128xi32, #tpu.memory_space<hbm>> -> memref<40x128xi32, #tpu.memory_space<hbm>>
      tpu.wait_dma2 semaphore(%run_scoped3A_33 : memref<!tpu.dma_semaphore, #tpu.memory_space<semaphore_mem>>) src(%dma_wait3A_47 : memref<40x128xi32, #tpu.memory_space<hbm>>) dst(%arg5 : memref<40x128xi32, #tpu.memory_space<vmem>>)
      tpu.yield
    }) : () -> ()
    %run_scoped3A_21 = arith.constant 1 : i32
    "tpu.region"() ({
      %run_scoped3A_33 = tpu.sem_alloc : memref<!tpu.dma_semaphore, #tpu.memory_space<semaphore_mem>>
      %dma_start3A = arith.constant 40 : i32
      %dma_start3A_34 = arith.constant 0 : i32
      %dma_start3A_35 = tpu.memref_slice %arg3[%run_scoped3A_21, %add3A, %dma_start3A, %dma_start3A_34] : memref<2x32x80x128xi32, #tpu.memory_space<hbm>> -> memref<1x1x40x128xi32, #tpu.memory_space<hbm>>
      %dma_start3A_36 = tpu.memref_squeeze %dma_start3A_35 : memref<1x1x40x128xi32, #tpu.memory_space<hbm>> -> memref<40x128xi32, #tpu.memory_space<hbm>>
      %dma_start3A_37 = arith.constant 40 : i32
      %dma_start3A_38 = arith.constant 0 : i32
      %dma_start3A_39 = tpu.memref_slice %arg3[%run_scoped3A_21, %add3A, %dma_start3A_37, %dma_start3A_38] : memref<2x32x80x128xi32, #tpu.memory_space<hbm>> -> memref<1x1x40x128xi32, #tpu.memory_space<hbm>>
      %dma_start3A_40 = tpu.memref_squeeze %dma_start3A_39 : memref<1x1x40x128xi32, #tpu.memory_space<hbm>> -> memref<40x128xi32, #tpu.memory_space<hbm>>
      tpu.enqueue_dma source(%dma_start3A_40 : memref<40x128xi32, #tpu.memory_space<hbm>>) target(%arg6 : memref<40x128xi32, #tpu.memory_space<vmem>>) target_semaphore(%run_scoped3A_33 : memref<!tpu.dma_semaphore, #tpu.memory_space<semaphore_mem>>)
      %dma_wait3A = arith.constant 40 : i32
      %dma_wait3A_41 = arith.constant 0 : i32
      %dma_wait3A_42 = tpu.memref_slice %arg3[%run_scoped3A_21, %add3A, %dma_wait3A, %dma_wait3A_41] : memref<2x32x80x128xi32, #tpu.memory_space<hbm>> -> memref<1x1x40x128xi32, #tpu.memory_space<hbm>>
      %dma_wait3A_43 = tpu.memref_squeeze %dma_wait3A_42 : memref<1x1x40x128xi32, #tpu.memory_space<hbm>> -> memref<40x128xi32, #tpu.memory_space<hbm>>
      %dma_wait3A_44 = arith.constant 40 : i32
      %dma_wait3A_45 = arith.constant 0 : i32
      %dma_wait3A_46 = tpu.memref_slice %arg3[%run_scoped3A_21, %add3A, %dma_wait3A_44, %dma_wait3A_45] : memref<2x32x80x128xi32, #tpu.memory_space<hbm>> -> memref<1x1x40x128xi32, #tpu.memory_space<hbm>>
      %dma_wait3A_47 = tpu.memref_squeeze %dma_wait3A_46 : memref<1x1x40x128xi32, #tpu.memory_space<hbm>> -> memref<40x128xi32, #tpu.memory_space<hbm>>
      tpu.wait_dma2 semaphore(%run_scoped3A_33 : memref<!tpu.dma_semaphore, #tpu.memory_space<semaphore_mem>>) src(%dma_wait3A_47 : memref<40x128xi32, #tpu.memory_space<hbm>>) dst(%arg6 : memref<40x128xi32, #tpu.memory_space<vmem>>)
      tpu.yield
    }) : () -> ()
    %scan3A_22 = arith.constant 0 : i32
    %scan3A_23 = arith.constant 0 : i32
    %scan3A_24 = arith.constant 20 : i32
    %scan3A_25 = arith.addi %scan3A_23, %scan3A_24 : i32
    %scan3A_26 = arith.constant 1 : i32
    scf.for %scan3A_33 = %scan3A_23 to %scan3A_25 step %scan3A_26  : i32 {
      %mul3A_34 = arith.constant 2 : i32
      %mul3A_35 = arith.muli %mul3A_34, %scan3A_33 : i32
      %dma_start3A = arith.constant 0 : i32
      %dma_start3A_36 = tpu.memref_slice %arg5[%mul3A_35, %dma_start3A] : memref<40x128xi32, #tpu.memory_space<vmem>> -> memref<1x128xi32, #tpu.memory_space<vmem>>
      %dma_start3A_37 = tpu.memref_squeeze %dma_start3A_36 : memref<1x128xi32, #tpu.memory_space<vmem>> -> memref<128xi32, #tpu.memory_space<vmem>>
      %dma_start3A_38 = arith.constant 0 : i32
      %dma_start3A_39 = arith.constant 0 : i32
      %dma_start3A_40 = tpu.memref_slice %arg2[%dma_start3A_38, %dma_start3A_39] : memref<10000x128xf32, #tpu.memory_space<hbm>> -> memref<10000x128xf32, #tpu.memory_space<hbm>>
      tpu.enqueue_indirect_dma source(%dma_start3A_40 : memref<10000x128xf32, #tpu.memory_space<hbm>>) target(%arg7 : memref<128x128xf32, #tpu.memory_space<vmem>>) offsets(%dma_start3A_37 : memref<128xi32, #tpu.memory_space<vmem>>) semaphore(%arg11 : memref<!tpu.dma_semaphore, #tpu.memory_space<semaphore_mem>>)
      %add3A_41 = arith.constant 1 : i32
      %add3A_42 = arith.addi %mul3A_35, %add3A_41 : i32
      %dma_start3A_43 = arith.constant 0 : i32
      %dma_start3A_44 = tpu.memref_slice %arg5[%add3A_42, %dma_start3A_43] : memref<40x128xi32, #tpu.memory_space<vmem>> -> memref<1x128xi32, #tpu.memory_space<vmem>>
      %dma_start3A_45 = tpu.memref_squeeze %dma_start3A_44 : memref<1x128xi32, #tpu.memory_space<vmem>> -> memref<128xi32, #tpu.memory_space<vmem>>
      %dma_start3A_46 = arith.constant 0 : i32
      %dma_start3A_47 = arith.constant 0 : i32
      %dma_start3A_48 = tpu.memref_slice %arg2[%dma_start3A_46, %dma_start3A_47] : memref<10000x128xf32, #tpu.memory_space<hbm>> -> memref<10000x128xf32, #tpu.memory_space<hbm>>
      tpu.enqueue_indirect_dma source(%dma_start3A_48 : memref<10000x128xf32, #tpu.memory_space<hbm>>) target(%arg8 : memref<128x128xf32, #tpu.memory_space<vmem>>) offsets(%dma_start3A_45 : memref<128xi32, #tpu.memory_space<vmem>>) semaphore(%arg12 : memref<!tpu.dma_semaphore, #tpu.memory_space<semaphore_mem>>)
      %dma_wait3A = arith.constant 0 : i32
      %dma_wait3A_49 = tpu.memref_slice %arg5[%mul3A_35, %dma_wait3A] : memref<40x128xi32, #tpu.memory_space<vmem>> -> memref<1x128xi32, #tpu.memory_space<vmem>>
      %dma_wait3A_50 = tpu.memref_squeeze %dma_wait3A_49 : memref<1x128xi32, #tpu.memory_space<vmem>> -> memref<128xi32, #tpu.memory_space<vmem>>
      %dma_wait3A_51 = arith.constant 0 : i32
      %dma_wait3A_52 = arith.constant 0 : i32
      %dma_wait3A_53 = tpu.memref_slice %arg2[%dma_wait3A_51, %dma_wait3A_52] : memref<10000x128xf32, #tpu.memory_space<hbm>> -> memref<10000x128xf32, #tpu.memory_space<hbm>>
      tpu.wait_indirect_dma semaphore(%arg11 : memref<!tpu.dma_semaphore, #tpu.memory_space<semaphore_mem>>) src(%dma_wait3A_53 : memref<10000x128xf32, #tpu.memory_space<hbm>>) dst(%arg7 : memref<128x128xf32, #tpu.memory_space<vmem>>)
      %dma_start3A_54 = arith.constant 0 : i32
      %dma_start3A_55 = tpu.memref_slice %arg6[%mul3A_35, %dma_start3A_54] : memref<40x128xi32, #tpu.memory_space<vmem>> -> memref<1x128xi32, #tpu.memory_space<vmem>>
      %dma_start3A_56 = tpu.memref_squeeze %dma_start3A_55 : memref<1x128xi32, #tpu.memory_space<vmem>> -> memref<128xi32, #tpu.memory_space<vmem>>
      %dma_start3A_57 = arith.constant 0 : i32
      %dma_start3A_58 = arith.constant 0 : i32
      %dma_start3A_59 = tpu.memref_slice %arg10[%dma_start3A_57, %dma_start3A_58] : memref<10112x128xf32, #tpu.memory_space<vmem_shared>> -> memref<10112x128xf32, #tpu.memory_space<vmem_shared>>
      tpu.enqueue_indirect_dma source(%arg7 : memref<128x128xf32, #tpu.memory_space<vmem>>) target(%dma_start3A_59 : memref<10112x128xf32, #tpu.memory_space<vmem_shared>>) offsets(%dma_start3A_56 : memref<128xi32, #tpu.memory_space<vmem>>) semaphore(%arg13 : memref<!tpu.dma_semaphore, #tpu.memory_space<semaphore_mem>>) {add = true}
      %dma_wait3A_60 = arith.constant 0 : i32
      %dma_wait3A_61 = tpu.memref_slice %arg5[%add3A_42, %dma_wait3A_60] : memref<40x128xi32, #tpu.memory_space<vmem>> -> memref<1x128xi32, #tpu.memory_space<vmem>>
      %dma_wait3A_62 = tpu.memref_squeeze %dma_wait3A_61 : memref<1x128xi32, #tpu.memory_space<vmem>> -> memref<128xi32, #tpu.memory_space<vmem>>
      %dma_wait3A_63 = arith.constant 0 : i32
      %dma_wait3A_64 = arith.constant 0 : i32
      %dma_wait3A_65 = tpu.memref_slice %arg2[%dma_wait3A_63, %dma_wait3A_64] : memref<10000x128xf32, #tpu.memory_space<hbm>> -> memref<10000x128xf32, #tpu.memory_space<hbm>>
      tpu.wait_indirect_dma semaphore(%arg12 : memref<!tpu.dma_semaphore, #tpu.memory_space<semaphore_mem>>) src(%dma_wait3A_65 : memref<10000x128xf32, #tpu.memory_space<hbm>>) dst(%arg8 : memref<128x128xf32, #tpu.memory_space<vmem>>)
      %add3A_66 = arith.constant 1 : i32
      %add3A_67 = arith.addi %mul3A_35, %add3A_66 : i32
      %dma_start3A_68 = arith.constant 0 : i32
      %dma_start3A_69 = tpu.memref_slice %arg6[%add3A_67, %dma_start3A_68] : memref<40x128xi32, #tpu.memory_space<vmem>> -> memref<1x128xi32, #tpu.memory_space<vmem>>
      %dma_start3A_70 = tpu.memref_squeeze %dma_start3A_69 : memref<1x128xi32, #tpu.memory_space<vmem>> -> memref<128xi32, #tpu.memory_space<vmem>>
      %dma_start3A_71 = arith.constant 0 : i32
      %dma_start3A_72 = arith.constant 0 : i32
      %dma_start3A_73 = tpu.memref_slice %arg10[%dma_start3A_71, %dma_start3A_72] : memref<10112x128xf32, #tpu.memory_space<vmem_shared>> -> memref<10112x128xf32, #tpu.memory_space<vmem_shared>>
      tpu.enqueue_indirect_dma source(%arg8 : memref<128x128xf32, #tpu.memory_space<vmem>>) target(%dma_start3A_73 : memref<10112x128xf32, #tpu.memory_space<vmem_shared>>) offsets(%dma_start3A_70 : memref<128xi32, #tpu.memory_space<vmem>>) semaphore(%arg14 : memref<!tpu.dma_semaphore, #tpu.memory_space<semaphore_mem>>) {add = true}
      %dma_wait3A_74 = arith.constant 0 : i32
      %dma_wait3A_75 = tpu.memref_slice %arg6[%mul3A_35, %dma_wait3A_74] : memref<40x128xi32, #tpu.memory_space<vmem>> -> memref<1x128xi32, #tpu.memory_space<vmem>>
      %dma_wait3A_76 = tpu.memref_squeeze %dma_wait3A_75 : memref<1x128xi32, #tpu.memory_space<vmem>> -> memref<128xi32, #tpu.memory_space<vmem>>
      %dma_wait3A_77 = arith.constant 0 : i32
      %dma_wait3A_78 = arith.constant 0 : i32
      %dma_wait3A_79 = tpu.memref_slice %arg10[%dma_wait3A_77, %dma_wait3A_78] : memref<10112x128xf32, #tpu.memory_space<vmem_shared>> -> memref<10112x128xf32, #tpu.memory_space<vmem_shared>>
      tpu.wait_indirect_dma semaphore(%arg13 : memref<!tpu.dma_semaphore, #tpu.memory_space<semaphore_mem>>) src(%arg7 : memref<128x128xf32, #tpu.memory_space<vmem>>) dst(%dma_wait3A_79 : memref<10112x128xf32, #tpu.memory_space<vmem_shared>>)
      %dma_wait3A_80 = arith.constant 0 : i32
      %dma_wait3A_81 = tpu.memref_slice %arg6[%add3A_67, %dma_wait3A_80] : memref<40x128xi32, #tpu.memory_space<vmem>> -> memref<1x128xi32, #tpu.memory_space<vmem>>
      %dma_wait3A_82 = tpu.memref_squeeze %dma_wait3A_81 : memref<1x128xi32, #tpu.memory_space<vmem>> -> memref<128xi32, #tpu.memory_space<vmem>>
      %dma_wait3A_83 = arith.constant 0 : i32
      %dma_wait3A_84 = arith.constant 0 : i32
      %dma_wait3A_85 = tpu.memref_slice %arg10[%dma_wait3A_83, %dma_wait3A_84] : memref<10112x128xf32, #tpu.memory_space<vmem_shared>> -> memref<10112x128xf32, #tpu.memory_space<vmem_shared>>
      tpu.wait_indirect_dma semaphore(%arg14 : memref<!tpu.dma_semaphore, #tpu.memory_space<semaphore_mem>>) src(%arg8 : memref<128x128xf32, #tpu.memory_space<vmem>>) dst(%dma_wait3A_85 : memref<10112x128xf32, #tpu.memory_space<vmem_shared>>)
    }
    %scan3A_27 = arith.constant 20 : i32
    %barrier3A_28 = arith.constant 0 : index
    tpu.barrier barrier_id(%barrier3A_28)
    %mul3A_29 = arith.constant 632 : i32
    %mul3A_30 = arith.muli %arg1, %mul3A_29 : i32
    %mul3A_31 = arith.constant 632 : i32
    %mul3A_32 = arith.muli %arg1, %mul3A_31 : i32
    "tpu.region"() ({
      %run_scoped3A_33 = tpu.sem_alloc : memref<!tpu.dma_semaphore, #tpu.memory_space<semaphore_mem>>
      %dma_start3A = arith.constant 0 : i32
      %dma_start3A_34 = tpu.memref_slice %arg4[%arg0, %mul3A_32, %dma_start3A] : memref<2x10112x128xf32, #tpu.memory_space<hbm>> -> memref<1x632x128xf32, #tpu.memory_space<hbm>>
      %dma_start3A_35 = tpu.memref_squeeze %dma_start3A_34 : memref<1x632x128xf32, #tpu.memory_space<hbm>> -> memref<632x128xf32, #tpu.memory_space<hbm>>
      %dma_start3A_36 = arith.constant 0 : i32
      %dma_start3A_37 = tpu.memref_slice %arg10[%mul3A_30, %dma_start3A_36] : memref<10112x128xf32, #tpu.memory_space<vmem_shared>> -> memref<632x128xf32, #tpu.memory_space<vmem_shared>>
      tpu.enqueue_dma source(%dma_start3A_37 : memref<632x128xf32, #tpu.memory_space<vmem_shared>>) target(%dma_start3A_35 : memref<632x128xf32, #tpu.memory_space<hbm>>) target_semaphore(%run_scoped3A_33 : memref<!tpu.dma_semaphore, #tpu.memory_space<semaphore_mem>>)
      %dma_wait3A = arith.constant 0 : i32
      %dma_wait3A_38 = tpu.memref_slice %arg4[%arg0, %mul3A_32, %dma_wait3A] : memref<2x10112x128xf32, #tpu.memory_space<hbm>> -> memref<1x632x128xf32, #tpu.memory_space<hbm>>
      %dma_wait3A_39 = tpu.memref_squeeze %dma_wait3A_38 : memref<1x632x128xf32, #tpu.memory_space<hbm>> -> memref<632x128xf32, #tpu.memory_space<hbm>>
      %dma_wait3A_40 = arith.constant 0 : i32
      %dma_wait3A_41 = tpu.memref_slice %arg10[%mul3A_30, %dma_wait3A_40] : memref<10112x128xf32, #tpu.memory_space<vmem_shared>> -> memref<632x128xf32, #tpu.memory_space<vmem_shared>>
      tpu.wait_dma2 semaphore(%run_scoped3A_33 : memref<!tpu.dma_semaphore, #tpu.memory_space<semaphore_mem>>) src(%dma_wait3A_41 : memref<632x128xf32, #tpu.memory_space<vmem_shared>>) dst(%dma_wait3A_39 : memref<632x128xf32, #tpu.memory_space<hbm>>)
      tpu.yield
    }) : () -> ()
    return
  }
}

#map = affine_map<(d0, d1) -> (0, 0, 0, 0)>
#map1 = affine_map<(d0, d1) -> (0, 0, 0)>
module attributes {stable_mosaic.version = 14 : i64} {
  func.func @_deg_body(%arg0: i32, %arg1: i32, %arg2: memref<2x32x80x128xi32, #tpu.memory_space<hbm>>, %arg3: memref<32x1x10112xf32, #tpu.memory_space<hbm>>, %arg4: memref<80x128xi32, #tpu.memory_space<vmem>>, %arg5: memref<1x10112xf32, #tpu.memory_space<vmem>>) attributes {dimension_semantics = [#tpu.dimension_semantics<core_parallel>, #tpu.dimension_semantics<subcore_parallel>], iteration_bounds = array<i64: 2, 16>, scalar_prefetch = 0 : i64, scratch_operands = 2 : i64, tpu.core_type = #tpu.core_type<sc_vector_subcore>, window_params = [{transform_indices = #map}, {transform_indices = #map1}]} {
    %mul3A = arith.constant 16 : i32
    %mul3A_0 = arith.muli %arg0, %mul3A : i32
    %add3A = arith.addi %mul3A_0, %arg1 : i32
    %run_scoped3A = arith.constant 1 : i32
    "tpu.region"() ({
      %run_scoped3A_17 = tpu.sem_alloc : memref<!tpu.dma_semaphore, #tpu.memory_space<semaphore_mem>>
      %dma_start3A = arith.constant 0 : i32
      %dma_start3A_18 = arith.constant 0 : i32
      %dma_start3A_19 = tpu.memref_slice %arg2[%run_scoped3A, %add3A, %dma_start3A, %dma_start3A_18] : memref<2x32x80x128xi32, #tpu.memory_space<hbm>> -> memref<1x1x80x128xi32, #tpu.memory_space<hbm>>
      %dma_start3A_20 = tpu.memref_squeeze %dma_start3A_19 : memref<1x1x80x128xi32, #tpu.memory_space<hbm>> -> memref<80x128xi32, #tpu.memory_space<hbm>>
      %dma_start3A_21 = arith.constant 0 : i32
      %dma_start3A_22 = arith.constant 0 : i32
      %dma_start3A_23 = tpu.memref_slice %arg2[%run_scoped3A, %add3A, %dma_start3A_21, %dma_start3A_22] : memref<2x32x80x128xi32, #tpu.memory_space<hbm>> -> memref<1x1x80x128xi32, #tpu.memory_space<hbm>>
      %dma_start3A_24 = tpu.memref_squeeze %dma_start3A_23 : memref<1x1x80x128xi32, #tpu.memory_space<hbm>> -> memref<80x128xi32, #tpu.memory_space<hbm>>
      tpu.enqueue_dma source(%dma_start3A_24 : memref<80x128xi32, #tpu.memory_space<hbm>>) target(%arg4 : memref<80x128xi32, #tpu.memory_space<vmem>>) target_semaphore(%run_scoped3A_17 : memref<!tpu.dma_semaphore, #tpu.memory_space<semaphore_mem>>)
      %dma_wait3A = arith.constant 0 : i32
      %dma_wait3A_25 = arith.constant 0 : i32
      %dma_wait3A_26 = tpu.memref_slice %arg2[%run_scoped3A, %add3A, %dma_wait3A, %dma_wait3A_25] : memref<2x32x80x128xi32, #tpu.memory_space<hbm>> -> memref<1x1x80x128xi32, #tpu.memory_space<hbm>>
      %dma_wait3A_27 = tpu.memref_squeeze %dma_wait3A_26 : memref<1x1x80x128xi32, #tpu.memory_space<hbm>> -> memref<80x128xi32, #tpu.memory_space<hbm>>
      %dma_wait3A_28 = arith.constant 0 : i32
      %dma_wait3A_29 = arith.constant 0 : i32
      %dma_wait3A_30 = tpu.memref_slice %arg2[%run_scoped3A, %add3A, %dma_wait3A_28, %dma_wait3A_29] : memref<2x32x80x128xi32, #tpu.memory_space<hbm>> -> memref<1x1x80x128xi32, #tpu.memory_space<hbm>>
      %dma_wait3A_31 = tpu.memref_squeeze %dma_wait3A_30 : memref<1x1x80x128xi32, #tpu.memory_space<hbm>> -> memref<80x128xi32, #tpu.memory_space<hbm>>
      tpu.wait_dma2 semaphore(%run_scoped3A_17 : memref<!tpu.dma_semaphore, #tpu.memory_space<semaphore_mem>>) src(%dma_wait3A_31 : memref<80x128xi32, #tpu.memory_space<hbm>>) dst(%arg4 : memref<80x128xi32, #tpu.memory_space<vmem>>)
      tpu.yield
    }) : () -> ()
    %broadcast_in_dim3A = arith.constant 0.000000e+00 : f32
    %broadcast_in_dim3A_1 = vector.broadcast %broadcast_in_dim3A : f32 to vector<16xf32>
    %scan3A = arith.constant 0 : i32
    %scan3A_2 = arith.constant 0 : i32
    %scan3A_3 = arith.constant 632 : i32
    %scan3A_4 = arith.addi %scan3A_2, %scan3A_3 : i32
    %scan3A_5 = arith.constant 1 : i32
    scf.for %scan3A_17 = %scan3A_2 to %scan3A_4 step %scan3A_5  : i32 {
      %mul3A_18 = arith.constant 16 : i32
      %mul3A_19 = arith.muli %scan3A_17, %mul3A_18 : i32
      %swap3A = arith.constant 0 : i32
      %swap3A_20 = arith.index_cast %swap3A : i32 to index
      %swap3A_21 = arith.index_cast %mul3A_19 : i32 to index
      %swap3A_22 = tpu.vector_load %arg5[%swap3A_20, %swap3A_21] {strides = array<i32>} : memref<1x10112xf32, #tpu.memory_space<vmem>>, vector<16xf32>,
      tpu.vector_store %arg5[%swap3A_20, %swap3A_21], %broadcast_in_dim3A_1 {strides = array<i32>} : memref<1x10112xf32, #tpu.memory_space<vmem>>, vector<16xf32>,
    }
    %scan3A_6 = arith.constant 632 : i32
    %broadcast_in_dim3A_7 = arith.constant 1.000000e+00 : f32
    %broadcast_in_dim3A_8 = vector.broadcast %broadcast_in_dim3A_7 : f32 to vector<16xf32>
    %broadcast_in_dim3A_9 = arith.constant 0 : i32
    %broadcast_in_dim3A_10 = vector.broadcast %broadcast_in_dim3A_9 : i32 to vector<16xi32>
    %scan3A_11 = arith.constant 0 : i32
    %scan3A_12 = arith.constant 0 : i32
    %scan3A_13 = arith.constant 80 : i32
    %scan3A_14 = arith.addi %scan3A_12, %scan3A_13 : i32
    %scan3A_15 = arith.constant 1 : i32
    scf.for %scan3A_17 = %scan3A_12 to %scan3A_14 step %scan3A_15  : i32 {
      %get3A = arith.index_cast %scan3A_17 : i32 to index
      %get3A_18 = arith.constant 0 : index
      %get3A_19 = tpu.vector_load %arg4[%get3A, %get3A_18] {strides = array<i32>} : memref<80x128xi32, #tpu.memory_space<vmem>>, vector<16xi32>,
      tpu.vector_store_idx %arg5[%broadcast_in_dim3A_10, %get3A_19], %broadcast_in_dim3A_8 {add = true} : memref<1x10112xf32, #tpu.memory_space<vmem>>[vector<16xi32>, vector<16xi32>], vector<16xf32>,
      %get3A_20 = arith.index_cast %scan3A_17 : i32 to index
      %get3A_21 = arith.constant 16 : index
      %get3A_22 = tpu.vector_load %arg4[%get3A_20, %get3A_21] {strides = array<i32>} : memref<80x128xi32, #tpu.memory_space<vmem>>, vector<16xi32>,
      tpu.vector_store_idx %arg5[%broadcast_in_dim3A_10, %get3A_22], %broadcast_in_dim3A_8 {add = true} : memref<1x10112xf32, #tpu.memory_space<vmem>>[vector<16xi32>, vector<16xi32>], vector<16xf32>,
      %get3A_23 = arith.index_cast %scan3A_17 : i32 to index
      %get3A_24 = arith.constant 32 : index
      %get3A_25 = tpu.vector_load %arg4[%get3A_23, %get3A_24] {strides = array<i32>} : memref<80x128xi32, #tpu.memory_space<vmem>>, vector<16xi32>,
      tpu.vector_store_idx %arg5[%broadcast_in_dim3A_10, %get3A_25], %broadcast_in_dim3A_8 {add = true} : memref<1x10112xf32, #tpu.memory_space<vmem>>[vector<16xi32>, vector<16xi32>], vector<16xf32>,
      %get3A_26 = arith.index_cast %scan3A_17 : i32 to index
      %get3A_27 = arith.constant 48 : index
      %get3A_28 = tpu.vector_load %arg4[%get3A_26, %get3A_27] {strides = array<i32>} : memref<80x128xi32, #tpu.memory_space<vmem>>, vector<16xi32>,
      tpu.vector_store_idx %arg5[%broadcast_in_dim3A_10, %get3A_28], %broadcast_in_dim3A_8 {add = true} : memref<1x10112xf32, #tpu.memory_space<vmem>>[vector<16xi32>, vector<16xi32>], vector<16xf32>,
      %get3A_29 = arith.index_cast %scan3A_17 : i32 to index
      %get3A_30 = arith.constant 64 : index
      %get3A_31 = tpu.vector_load %arg4[%get3A_29, %get3A_30] {strides = array<i32>} : memref<80x128xi32, #tpu.memory_space<vmem>>, vector<16xi32>,
      tpu.vector_store_idx %arg5[%broadcast_in_dim3A_10, %get3A_31], %broadcast_in_dim3A_8 {add = true} : memref<1x10112xf32, #tpu.memory_space<vmem>>[vector<16xi32>, vector<16xi32>], vector<16xf32>,
      %get3A_32 = arith.index_cast %scan3A_17 : i32 to index
      %get3A_33 = arith.constant 80 : index
      %get3A_34 = tpu.vector_load %arg4[%get3A_32, %get3A_33] {strides = array<i32>} : memref<80x128xi32, #tpu.memory_space<vmem>>, vector<16xi32>,
      tpu.vector_store_idx %arg5[%broadcast_in_dim3A_10, %get3A_34], %broadcast_in_dim3A_8 {add = true} : memref<1x10112xf32, #tpu.memory_space<vmem>>[vector<16xi32>, vector<16xi32>], vector<16xf32>,
      %get3A_35 = arith.index_cast %scan3A_17 : i32 to index
      %get3A_36 = arith.constant 96 : index
      %get3A_37 = tpu.vector_load %arg4[%get3A_35, %get3A_36] {strides = array<i32>} : memref<80x128xi32, #tpu.memory_space<vmem>>, vector<16xi32>,
      tpu.vector_store_idx %arg5[%broadcast_in_dim3A_10, %get3A_37], %broadcast_in_dim3A_8 {add = true} : memref<1x10112xf32, #tpu.memory_space<vmem>>[vector<16xi32>, vector<16xi32>], vector<16xf32>,
      %get3A_38 = arith.index_cast %scan3A_17 : i32 to index
      %get3A_39 = arith.constant 112 : index
      %get3A_40 = tpu.vector_load %arg4[%get3A_38, %get3A_39] {strides = array<i32>} : memref<80x128xi32, #tpu.memory_space<vmem>>, vector<16xi32>,
      tpu.vector_store_idx %arg5[%broadcast_in_dim3A_10, %get3A_40], %broadcast_in_dim3A_8 {add = true} : memref<1x10112xf32, #tpu.memory_space<vmem>>[vector<16xi32>, vector<16xi32>], vector<16xf32>,
    }
    %scan3A_16 = arith.constant 80 : i32
    "tpu.region"() ({
      %run_scoped3A_17 = tpu.sem_alloc : memref<!tpu.dma_semaphore, #tpu.memory_space<semaphore_mem>>
      %dma_start3A = arith.constant 0 : i32
      %dma_start3A_18 = arith.constant 0 : i32
      %dma_start3A_19 = tpu.memref_slice %arg3[%add3A, %dma_start3A, %dma_start3A_18] : memref<32x1x10112xf32, #tpu.memory_space<hbm>> -> memref<1x1x10112xf32, #tpu.memory_space<hbm>>
      %dma_start3A_20 = tpu.memref_squeeze %dma_start3A_19 : memref<1x1x10112xf32, #tpu.memory_space<hbm>> -> memref<1x10112xf32, #tpu.memory_space<hbm>>
      %dma_start3A_21 = arith.constant 0 : i32
      %dma_start3A_22 = arith.constant 0 : i32
      %dma_start3A_23 = tpu.memref_slice %arg3[%add3A, %dma_start3A_21, %dma_start3A_22] : memref<32x1x10112xf32, #tpu.memory_space<hbm>> -> memref<1x1x10112xf32, #tpu.memory_space<hbm>>
      %dma_start3A_24 = tpu.memref_squeeze %dma_start3A_23 : memref<1x1x10112xf32, #tpu.memory_space<hbm>> -> memref<1x10112xf32, #tpu.memory_space<hbm>>
      tpu.enqueue_dma source(%arg5 : memref<1x10112xf32, #tpu.memory_space<vmem>>) target(%dma_start3A_24 : memref<1x10112xf32, #tpu.memory_space<hbm>>) target_semaphore(%run_scoped3A_17 : memref<!tpu.dma_semaphore, #tpu.memory_space<semaphore_mem>>)
      %dma_wait3A = arith.constant 0 : i32
      %dma_wait3A_25 = arith.constant 0 : i32
      %dma_wait3A_26 = tpu.memref_slice %arg3[%add3A, %dma_wait3A, %dma_wait3A_25] : memref<32x1x10112xf32, #tpu.memory_space<hbm>> -> memref<1x1x10112xf32, #tpu.memory_space<hbm>>
      %dma_wait3A_27 = tpu.memref_squeeze %dma_wait3A_26 : memref<1x1x10112xf32, #tpu.memory_space<hbm>> -> memref<1x10112xf32, #tpu.memory_space<hbm>>
      %dma_wait3A_28 = arith.constant 0 : i32
      %dma_wait3A_29 = arith.constant 0 : i32
      %dma_wait3A_30 = tpu.memref_slice %arg3[%add3A, %dma_wait3A_28, %dma_wait3A_29] : memref<32x1x10112xf32, #tpu.memory_space<hbm>> -> memref<1x1x10112xf32, #tpu.memory_space<hbm>>
      %dma_wait3A_31 = tpu.memref_squeeze %dma_wait3A_30 : memref<1x1x10112xf32, #tpu.memory_space<hbm>> -> memref<1x10112xf32, #tpu.memory_space<hbm>>
      tpu.wait_dma2 semaphore(%run_scoped3A_17 : memref<!tpu.dma_semaphore, #tpu.memory_space<semaphore_mem>>) src(%arg5 : memref<1x10112xf32, #tpu.memory_space<vmem>>) dst(%dma_wait3A_31 : memref<1x10112xf32, #tpu.memory_space<hbm>>)
      tpu.yield
    }) : () -> ()
    return
  }
}

#map = affine_map<(d0, d1) -> (0, 0)>
#map1 = affine_map<(d0, d1) -> (0, 0, 0, 0)>
#map2 = affine_map<(d0, d1) -> (0, 0, 0)>
module attributes {stable_mosaic.version = 14 : i64} {
  func.func @_msg_body(%arg0: i32, %arg1: i32, %arg2: memref<10000x128xf32, #tpu.memory_space<hbm>>, %arg3: memref<2x32x80x128xi32, #tpu.memory_space<hbm>>, %arg4: memref<2x10112x128xf32, #tpu.memory_space<hbm>>, %arg5: memref<40x128xi32, #tpu.memory_space<vmem>>, %arg6: memref<40x128xi32, #tpu.memory_space<vmem>>, %arg7: memref<128x128xf32, #tpu.memory_space<vmem>>, %arg8: memref<128x128xf32, #tpu.memory_space<vmem>>, %arg9: memref<8x128xf32, #tpu.memory_space<vmem>>, %arg10: memref<10112x128xf32, #tpu.memory_space<vmem_shared>>, %arg11: memref<!tpu.dma_semaphore, #tpu.memory_space<semaphore_mem>>, %arg12: memref<!tpu.dma_semaphore, #tpu.memory_space<semaphore_mem>>, %arg13: memref<!tpu.dma_semaphore, #tpu.memory_space<semaphore_mem>>, %arg14: memref<!tpu.dma_semaphore, #tpu.memory_space<semaphore_mem>>) attributes {dimension_semantics = [#tpu.dimension_semantics<core_parallel>, #tpu.dimension_semantics<subcore_parallel>], iteration_bounds = array<i64: 2, 16>, scalar_prefetch = 0 : i64, scratch_operands = 10 : i64, tpu.core_type = #tpu.core_type<sc_vector_subcore>, window_params = [{transform_indices = #map}, {transform_indices = #map1}, {transform_indices = #map2}]} {
    %mul3A = arith.constant 16 : i32
    %mul3A_0 = arith.muli %arg0, %mul3A : i32
    %add3A = arith.addi %mul3A_0, %arg1 : i32
    %broadcast_in_dim3A = arith.constant 0.000000e+00 : f32
    %broadcast_in_dim3A_1 = vector.broadcast %broadcast_in_dim3A : f32 to vector<16xf32>
    %scan3A = arith.constant 0 : i32
    %scan3A_2 = arith.constant 0 : i32
    %scan3A_3 = arith.constant 64 : i32
    %scan3A_4 = arith.addi %scan3A_2, %scan3A_3 : i32
    %scan3A_5 = arith.constant 1 : i32
    scf.for %scan3A_33 = %scan3A_2 to %scan3A_4 step %scan3A_5  : i32 {
      %jit3A = arith.constant 8 : i32
      %div3A = arith.divsi %scan3A_33, %jit3A : i32
      %sign3A = arith.constant 0 : i32
      %sign3A_34 = arith.cmpi sgt, %scan3A_33, %sign3A : i32
      %sign3A_35 = arith.extui %sign3A_34 : i1 to i32
      %sign3A_36 = arith.constant 0 : i32
      %sign3A_37 = arith.cmpi slt, %scan3A_33, %sign3A_36 : i32
      %sign3A_38 = arith.extui %sign3A_37 : i1 to i32
      %sign3A_39 = arith.subi %sign3A_35, %sign3A_38 : i32
      %sign3A_40 = arith.constant 0 : i32
      %sign3A_41 = arith.cmpi sgt, %jit3A, %sign3A_40 : i32
      %sign3A_42 = arith.extui %sign3A_41 : i1 to i32
      %sign3A_43 = arith.constant 0 : i32
      %sign3A_44 = arith.cmpi slt, %jit3A, %sign3A_43 : i32
      %sign3A_45 = arith.extui %sign3A_44 : i1 to i32
      %sign3A_46 = arith.subi %sign3A_42, %sign3A_45 : i32
      %ne3A = arith.cmpi ne, %sign3A_39, %sign3A_46 : i32
      %rem3A = arith.remsi %scan3A_33, %jit3A : i32
      %ne3A_47 = arith.constant 0 : i32
      %ne3A_48 = arith.cmpi ne, %rem3A, %ne3A_47 : i32
      %and3A = arith.andi %ne3A, %ne3A_48 : i1
      %sub3A = arith.constant 1 : i32
      %sub3A_49 = arith.subi %div3A, %sub3A : i32
      %select_n3A = arith.select %and3A, %sub3A_49, %div3A : i32
      %jit3A_50 = arith.constant 8 : i32
      %eq3A = arith.constant 0 : i32
      %eq3A_51 = arith.cmpi eq, %jit3A_50, %eq3A : i32
      %jit3A_52 = arith.constant 1 : i32
      %select_n3A_53 = arith.select %eq3A_51, %jit3A_52, %jit3A_50 : i32
      %rem3A_54 = arith.remsi %scan3A_33, %select_n3A_53 : i32
      %ne3A_55 = arith.constant 0 : i32
      %ne3A_56 = arith.cmpi ne, %rem3A_54, %ne3A_55 : i32
      %lt3A = arith.constant 0 : i32
      %lt3A_57 = arith.cmpi slt, %rem3A_54, %lt3A : i32
      %lt3A_58 = arith.constant 0 : i32
      %lt3A_59 = arith.cmpi slt, %select_n3A_53, %lt3A_58 : i32
      %ne3A_60 = arith.xori %lt3A_57, %lt3A_59 : i1
      %and3A_61 = arith.andi %ne3A_60, %ne3A_56 : i1
      %add3A_62 = arith.addi %rem3A_54, %select_n3A_53 : i32
      %select_n3A_63 = arith.select %and3A_61, %add3A_62, %rem3A_54 : i32
      %mul3A_64 = arith.constant 16 : i32
      %mul3A_65 = arith.muli %select_n3A_63, %mul3A_64 : i32
      %swap3A = arith.index_cast %select_n3A : i32 to index
      %swap3A_66 = arith.index_cast %mul3A_65 : i32 to index
      %swap3A_67 = tpu.vector_load %arg9[%swap3A, %swap3A_66] {strides = array<i32>} : memref<8x128xf32, #tpu.memory_space<vmem>>, vector<1x16xf32>,
      %swap3A_68 = vector.shape_cast %swap3A_67 : vector<1x16xf32> to vector<16xf32>
      %swap3A_69 = vector.shape_cast %broadcast_in_dim3A_1 : vector<16xf32> to vector<1x16xf32>
      tpu.vector_store %arg9[%swap3A, %swap3A_66], %swap3A_69 {strides = array<i32>} : memref<8x128xf32, #tpu.memory_space<vmem>>, vector<1x16xf32>,
    }
    %scan3A_6 = arith.constant 64 : i32
    %scan3A_7 = arith.constant 0 : i32
    %scan3A_8 = arith.constant 0 : i32
    %scan3A_9 = arith.constant 79 : i32
    %scan3A_10 = arith.addi %scan3A_8, %scan3A_9 : i32
    %scan3A_11 = arith.constant 1 : i32
    scf.for %scan3A_33 = %scan3A_8 to %scan3A_10 step %scan3A_11  : i32 {
      %mul3A_34 = arith.constant 632 : i32
      %mul3A_35 = arith.muli %arg1, %mul3A_34 : i32
      %mul3A_36 = arith.constant 8 : i32
      %mul3A_37 = arith.muli %scan3A_33, %mul3A_36 : i32
      %add3A_38 = arith.addi %mul3A_35, %mul3A_37 : i32
      "tpu.region"() ({
        %run_scoped3A_39 = tpu.sem_alloc : memref<!tpu.dma_semaphore, #tpu.memory_space<semaphore_mem>>
        %dma_start3A = arith.constant 0 : i32
        %dma_start3A_40 = tpu.memref_slice %arg10[%add3A_38, %dma_start3A] : memref<10112x128xf32, #tpu.memory_space<vmem_shared>> -> memref<8x128xf32, #tpu.memory_space<vmem_shared>>
        %dma_start3A_41 = arith.constant 0 : i32
        %dma_start3A_42 = tpu.memref_slice %arg10[%add3A_38, %dma_start3A_41] : memref<10112x128xf32, #tpu.memory_space<vmem_shared>> -> memref<8x128xf32, #tpu.memory_space<vmem_shared>>
        tpu.enqueue_dma source(%arg9 : memref<8x128xf32, #tpu.memory_space<vmem>>) target(%dma_start3A_42 : memref<8x128xf32, #tpu.memory_space<vmem_shared>>) target_semaphore(%run_scoped3A_39 : memref<!tpu.dma_semaphore, #tpu.memory_space<semaphore_mem>>)
        %dma_wait3A = arith.constant 0 : i32
        %dma_wait3A_43 = tpu.memref_slice %arg10[%add3A_38, %dma_wait3A] : memref<10112x128xf32, #tpu.memory_space<vmem_shared>> -> memref<8x128xf32, #tpu.memory_space<vmem_shared>>
        %dma_wait3A_44 = arith.constant 0 : i32
        %dma_wait3A_45 = tpu.memref_slice %arg10[%add3A_38, %dma_wait3A_44] : memref<10112x128xf32, #tpu.memory_space<vmem_shared>> -> memref<8x128xf32, #tpu.memory_space<vmem_shared>>
        tpu.wait_dma2 semaphore(%run_scoped3A_39 : memref<!tpu.dma_semaphore, #tpu.memory_space<semaphore_mem>>) src(%arg9 : memref<8x128xf32, #tpu.memory_space<vmem>>) dst(%dma_wait3A_45 : memref<8x128xf32, #tpu.memory_space<vmem_shared>>)
        tpu.yield
      }) : () -> ()
    }
    %scan3A_12 = arith.constant 79 : i32
    %barrier3A = arith.constant 0 : index
    tpu.barrier barrier_id(%barrier3A)
    %run_scoped3A = arith.constant 0 : i32
    "tpu.region"() ({
      %run_scoped3A_33 = tpu.sem_alloc : memref<!tpu.dma_semaphore, #tpu.memory_space<semaphore_mem>>
      %dma_start3A = arith.constant 0 : i32
      %dma_start3A_34 = arith.constant 0 : i32
      %dma_start3A_35 = tpu.memref_slice %arg3[%run_scoped3A, %add3A, %dma_start3A, %dma_start3A_34] : memref<2x32x80x128xi32, #tpu.memory_space<hbm>> -> memref<1x1x40x128xi32, #tpu.memory_space<hbm>>
      %dma_start3A_36 = tpu.memref_squeeze %dma_start3A_35 : memref<1x1x40x128xi32, #tpu.memory_space<hbm>> -> memref<40x128xi32, #tpu.memory_space<hbm>>
      %dma_start3A_37 = arith.constant 0 : i32
      %dma_start3A_38 = arith.constant 0 : i32
      %dma_start3A_39 = tpu.memref_slice %arg3[%run_scoped3A, %add3A, %dma_start3A_37, %dma_start3A_38] : memref<2x32x80x128xi32, #tpu.memory_space<hbm>> -> memref<1x1x40x128xi32, #tpu.memory_space<hbm>>
      %dma_start3A_40 = tpu.memref_squeeze %dma_start3A_39 : memref<1x1x40x128xi32, #tpu.memory_space<hbm>> -> memref<40x128xi32, #tpu.memory_space<hbm>>
      tpu.enqueue_dma source(%dma_start3A_40 : memref<40x128xi32, #tpu.memory_space<hbm>>) target(%arg5 : memref<40x128xi32, #tpu.memory_space<vmem>>) target_semaphore(%run_scoped3A_33 : memref<!tpu.dma_semaphore, #tpu.memory_space<semaphore_mem>>)
      %dma_wait3A = arith.constant 0 : i32
      %dma_wait3A_41 = arith.constant 0 : i32
      %dma_wait3A_42 = tpu.memref_slice %arg3[%run_scoped3A, %add3A, %dma_wait3A, %dma_wait3A_41] : memref<2x32x80x128xi32, #tpu.memory_space<hbm>> -> memref<1x1x40x128xi32, #tpu.memory_space<hbm>>
      %dma_wait3A_43 = tpu.memref_squeeze %dma_wait3A_42 : memref<1x1x40x128xi32, #tpu.memory_space<hbm>> -> memref<40x128xi32, #tpu.memory_space<hbm>>
      %dma_wait3A_44 = arith.constant 0 : i32
      %dma_wait3A_45 = arith.constant 0 : i32
      %dma_wait3A_46 = tpu.memref_slice %arg3[%run_scoped3A, %add3A, %dma_wait3A_44, %dma_wait3A_45] : memref<2x32x80x128xi32, #tpu.memory_space<hbm>> -> memref<1x1x40x128xi32, #tpu.memory_space<hbm>>
      %dma_wait3A_47 = tpu.memref_squeeze %dma_wait3A_46 : memref<1x1x40x128xi32, #tpu.memory_space<hbm>> -> memref<40x128xi32, #tpu.memory_space<hbm>>
      tpu.wait_dma2 semaphore(%run_scoped3A_33 : memref<!tpu.dma_semaphore, #tpu.memory_space<semaphore_mem>>) src(%dma_wait3A_47 : memref<40x128xi32, #tpu.memory_space<hbm>>) dst(%arg5 : memref<40x128xi32, #tpu.memory_space<vmem>>)
      tpu.yield
    }) : () -> ()
    %run_scoped3A_13 = arith.constant 1 : i32
    "tpu.region"() ({
      %run_scoped3A_33 = tpu.sem_alloc : memref<!tpu.dma_semaphore, #tpu.memory_space<semaphore_mem>>
      %dma_start3A = arith.constant 0 : i32
      %dma_start3A_34 = arith.constant 0 : i32
      %dma_start3A_35 = tpu.memref_slice %arg3[%run_scoped3A_13, %add3A, %dma_start3A, %dma_start3A_34] : memref<2x32x80x128xi32, #tpu.memory_space<hbm>> -> memref<1x1x40x128xi32, #tpu.memory_space<hbm>>
      %dma_start3A_36 = tpu.memref_squeeze %dma_start3A_35 : memref<1x1x40x128xi32, #tpu.memory_space<hbm>> -> memref<40x128xi32, #tpu.memory_space<hbm>>
      %dma_start3A_37 = arith.constant 0 : i32
      %dma_start3A_38 = arith.constant 0 : i32
      %dma_start3A_39 = tpu.memref_slice %arg3[%run_scoped3A_13, %add3A, %dma_start3A_37, %dma_start3A_38] : memref<2x32x80x128xi32, #tpu.memory_space<hbm>> -> memref<1x1x40x128xi32, #tpu.memory_space<hbm>>
      %dma_start3A_40 = tpu.memref_squeeze %dma_start3A_39 : memref<1x1x40x128xi32, #tpu.memory_space<hbm>> -> memref<40x128xi32, #tpu.memory_space<hbm>>
      tpu.enqueue_dma source(%dma_start3A_40 : memref<40x128xi32, #tpu.memory_space<hbm>>) target(%arg6 : memref<40x128xi32, #tpu.memory_space<vmem>>) target_semaphore(%run_scoped3A_33 : memref<!tpu.dma_semaphore, #tpu.memory_space<semaphore_mem>>)
      %dma_wait3A = arith.constant 0 : i32
      %dma_wait3A_41 = arith.constant 0 : i32
      %dma_wait3A_42 = tpu.memref_slice %arg3[%run_scoped3A_13, %add3A, %dma_wait3A, %dma_wait3A_41] : memref<2x32x80x128xi32, #tpu.memory_space<hbm>> -> memref<1x1x40x128xi32, #tpu.memory_space<hbm>>
      %dma_wait3A_43 = tpu.memref_squeeze %dma_wait3A_42 : memref<1x1x40x128xi32, #tpu.memory_space<hbm>> -> memref<40x128xi32, #tpu.memory_space<hbm>>
      %dma_wait3A_44 = arith.constant 0 : i32
      %dma_wait3A_45 = arith.constant 0 : i32
      %dma_wait3A_46 = tpu.memref_slice %arg3[%run_scoped3A_13, %add3A, %dma_wait3A_44, %dma_wait3A_45] : memref<2x32x80x128xi32, #tpu.memory_space<hbm>> -> memref<1x1x40x128xi32, #tpu.memory_space<hbm>>
      %dma_wait3A_47 = tpu.memref_squeeze %dma_wait3A_46 : memref<1x1x40x128xi32, #tpu.memory_space<hbm>> -> memref<40x128xi32, #tpu.memory_space<hbm>>
      tpu.wait_dma2 semaphore(%run_scoped3A_33 : memref<!tpu.dma_semaphore, #tpu.memory_space<semaphore_mem>>) src(%dma_wait3A_47 : memref<40x128xi32, #tpu.memory_space<hbm>>) dst(%arg6 : memref<40x128xi32, #tpu.memory_space<vmem>>)
      tpu.yield
    }) : () -> ()
    %scan3A_14 = arith.constant 0 : i32
    %scan3A_15 = arith.constant 0 : i32
    %scan3A_16 = arith.constant 20 : i32
    %scan3A_17 = arith.addi %scan3A_15, %scan3A_16 : i32
    %scan3A_18 = arith.constant 1 : i32
    scf.for %scan3A_33 = %scan3A_15 to %scan3A_17 step %scan3A_18  : i32 {
      %mul3A_34 = arith.constant 2 : i32
      %mul3A_35 = arith.muli %mul3A_34, %scan3A_33 : i32
      %dma_start3A = arith.constant 0 : i32
      %dma_start3A_36 = tpu.memref_slice %arg5[%mul3A_35, %dma_start3A] : memref<40x128xi32, #tpu.memory_space<vmem>> -> memref<1x128xi32, #tpu.memory_space<vmem>>
      %dma_start3A_37 = tpu.memref_squeeze %dma_start3A_36 : memref<1x128xi32, #tpu.memory_space<vmem>> -> memref<128xi32, #tpu.memory_space<vmem>>
      %dma_start3A_38 = arith.constant 0 : i32
      %dma_start3A_39 = arith.constant 0 : i32
      %dma_start3A_40 = tpu.memref_slice %arg2[%dma_start3A_38, %dma_start3A_39] : memref<10000x128xf32, #tpu.memory_space<hbm>> -> memref<10000x128xf32, #tpu.memory_space<hbm>>
      tpu.enqueue_indirect_dma source(%dma_start3A_40 : memref<10000x128xf32, #tpu.memory_space<hbm>>) target(%arg7 : memref<128x128xf32, #tpu.memory_space<vmem>>) offsets(%dma_start3A_37 : memref<128xi32, #tpu.memory_space<vmem>>) semaphore(%arg11 : memref<!tpu.dma_semaphore, #tpu.memory_space<semaphore_mem>>)
      %add3A_41 = arith.constant 1 : i32
      %add3A_42 = arith.addi %mul3A_35, %add3A_41 : i32
      %dma_start3A_43 = arith.constant 0 : i32
      %dma_start3A_44 = tpu.memref_slice %arg5[%add3A_42, %dma_start3A_43] : memref<40x128xi32, #tpu.memory_space<vmem>> -> memref<1x128xi32, #tpu.memory_space<vmem>>
      %dma_start3A_45 = tpu.memref_squeeze %dma_start3A_44 : memref<1x128xi32, #tpu.memory_space<vmem>> -> memref<128xi32, #tpu.memory_space<vmem>>
      %dma_start3A_46 = arith.constant 0 : i32
      %dma_start3A_47 = arith.constant 0 : i32
      %dma_start3A_48 = tpu.memref_slice %arg2[%dma_start3A_46, %dma_start3A_47] : memref<10000x128xf32, #tpu.memory_space<hbm>> -> memref<10000x128xf32, #tpu.memory_space<hbm>>
      tpu.enqueue_indirect_dma source(%dma_start3A_48 : memref<10000x128xf32, #tpu.memory_space<hbm>>) target(%arg8 : memref<128x128xf32, #tpu.memory_space<vmem>>) offsets(%dma_start3A_45 : memref<128xi32, #tpu.memory_space<vmem>>) semaphore(%arg12 : memref<!tpu.dma_semaphore, #tpu.memory_space<semaphore_mem>>)
      %dma_wait3A = arith.constant 0 : i32
      %dma_wait3A_49 = tpu.memref_slice %arg5[%mul3A_35, %dma_wait3A] : memref<40x128xi32, #tpu.memory_space<vmem>> -> memref<1x128xi32, #tpu.memory_space<vmem>>
      %dma_wait3A_50 = tpu.memref_squeeze %dma_wait3A_49 : memref<1x128xi32, #tpu.memory_space<vmem>> -> memref<128xi32, #tpu.memory_space<vmem>>
      %dma_wait3A_51 = arith.constant 0 : i32
      %dma_wait3A_52 = arith.constant 0 : i32
      %dma_wait3A_53 = tpu.memref_slice %arg2[%dma_wait3A_51, %dma_wait3A_52] : memref<10000x128xf32, #tpu.memory_space<hbm>> -> memref<10000x128xf32, #tpu.memory_space<hbm>>
      tpu.wait_indirect_dma semaphore(%arg11 : memref<!tpu.dma_semaphore, #tpu.memory_space<semaphore_mem>>) src(%dma_wait3A_53 : memref<10000x128xf32, #tpu.memory_space<hbm>>) dst(%arg7 : memref<128x128xf32, #tpu.memory_space<vmem>>)
      %dma_start3A_54 = arith.constant 0 : i32
      %dma_start3A_55 = tpu.memref_slice %arg6[%mul3A_35, %dma_start3A_54] : memref<40x128xi32, #tpu.memory_space<vmem>> -> memref<1x128xi32, #tpu.memory_space<vmem>>
      %dma_start3A_56 = tpu.memref_squeeze %dma_start3A_55 : memref<1x128xi32, #tpu.memory_space<vmem>> -> memref<128xi32, #tpu.memory_space<vmem>>
      %dma_start3A_57 = arith.constant 0 : i32
      %dma_start3A_58 = arith.constant 0 : i32
      %dma_start3A_59 = tpu.memref_slice %arg10[%dma_start3A_57, %dma_start3A_58] : memref<10112x128xf32, #tpu.memory_space<vmem_shared>> -> memref<10112x128xf32, #tpu.memory_space<vmem_shared>>
      tpu.enqueue_indirect_dma source(%arg7 : memref<128x128xf32, #tpu.memory_space<vmem>>) target(%dma_start3A_59 : memref<10112x128xf32, #tpu.memory_space<vmem_shared>>) offsets(%dma_start3A_56 : memref<128xi32, #tpu.memory_space<vmem>>) semaphore(%arg13 : memref<!tpu.dma_semaphore, #tpu.memory_space<semaphore_mem>>) {add = true}
      %dma_wait3A_60 = arith.constant 0 : i32
      %dma_wait3A_61 = tpu.memref_slice %arg5[%add3A_42, %dma_wait3A_60] : memref<40x128xi32, #tpu.memory_space<vmem>> -> memref<1x128xi32, #tpu.memory_space<vmem>>
      %dma_wait3A_62 = tpu.memref_squeeze %dma_wait3A_61 : memref<1x128xi32, #tpu.memory_space<vmem>> -> memref<128xi32, #tpu.memory_space<vmem>>
      %dma_wait3A_63 = arith.constant 0 : i32
      %dma_wait3A_64 = arith.constant 0 : i32
      %dma_wait3A_65 = tpu.memref_slice %arg2[%dma_wait3A_63, %dma_wait3A_64] : memref<10000x128xf32, #tpu.memory_space<hbm>> -> memref<10000x128xf32, #tpu.memory_space<hbm>>
      tpu.wait_indirect_dma semaphore(%arg12 : memref<!tpu.dma_semaphore, #tpu.memory_space<semaphore_mem>>) src(%dma_wait3A_65 : memref<10000x128xf32, #tpu.memory_space<hbm>>) dst(%arg8 : memref<128x128xf32, #tpu.memory_space<vmem>>)
      %add3A_66 = arith.constant 1 : i32
      %add3A_67 = arith.addi %mul3A_35, %add3A_66 : i32
      %dma_start3A_68 = arith.constant 0 : i32
      %dma_start3A_69 = tpu.memref_slice %arg6[%add3A_67, %dma_start3A_68] : memref<40x128xi32, #tpu.memory_space<vmem>> -> memref<1x128xi32, #tpu.memory_space<vmem>>
      %dma_start3A_70 = tpu.memref_squeeze %dma_start3A_69 : memref<1x128xi32, #tpu.memory_space<vmem>> -> memref<128xi32, #tpu.memory_space<vmem>>
      %dma_start3A_71 = arith.constant 0 : i32
      %dma_start3A_72 = arith.constant 0 : i32
      %dma_start3A_73 = tpu.memref_slice %arg10[%dma_start3A_71, %dma_start3A_72] : memref<10112x128xf32, #tpu.memory_space<vmem_shared>> -> memref<10112x128xf32, #tpu.memory_space<vmem_shared>>
      tpu.enqueue_indirect_dma source(%arg8 : memref<128x128xf32, #tpu.memory_space<vmem>>) target(%dma_start3A_73 : memref<10112x128xf32, #tpu.memory_space<vmem_shared>>) offsets(%dma_start3A_70 : memref<128xi32, #tpu.memory_space<vmem>>) semaphore(%arg14 : memref<!tpu.dma_semaphore, #tpu.memory_space<semaphore_mem>>) {add = true}
      %dma_wait3A_74 = arith.constant 0 : i32
      %dma_wait3A_75 = tpu.memref_slice %arg6[%mul3A_35, %dma_wait3A_74] : memref<40x128xi32, #tpu.memory_space<vmem>> -> memref<1x128xi32, #tpu.memory_space<vmem>>
      %dma_wait3A_76 = tpu.memref_squeeze %dma_wait3A_75 : memref<1x128xi32, #tpu.memory_space<vmem>> -> memref<128xi32, #tpu.memory_space<vmem>>
      %dma_wait3A_77 = arith.constant 0 : i32
      %dma_wait3A_78 = arith.constant 0 : i32
      %dma_wait3A_79 = tpu.memref_slice %arg10[%dma_wait3A_77, %dma_wait3A_78] : memref<10112x128xf32, #tpu.memory_space<vmem_shared>> -> memref<10112x128xf32, #tpu.memory_space<vmem_shared>>
      tpu.wait_indirect_dma semaphore(%arg13 : memref<!tpu.dma_semaphore, #tpu.memory_space<semaphore_mem>>) src(%arg7 : memref<128x128xf32, #tpu.memory_space<vmem>>) dst(%dma_wait3A_79 : memref<10112x128xf32, #tpu.memory_space<vmem_shared>>)
      %dma_wait3A_80 = arith.constant 0 : i32
      %dma_wait3A_81 = tpu.memref_slice %arg6[%add3A_67, %dma_wait3A_80] : memref<40x128xi32, #tpu.memory_space<vmem>> -> memref<1x128xi32, #tpu.memory_space<vmem>>
      %dma_wait3A_82 = tpu.memref_squeeze %dma_wait3A_81 : memref<1x128xi32, #tpu.memory_space<vmem>> -> memref<128xi32, #tpu.memory_space<vmem>>
      %dma_wait3A_83 = arith.constant 0 : i32
      %dma_wait3A_84 = arith.constant 0 : i32
      %dma_wait3A_85 = tpu.memref_slice %arg10[%dma_wait3A_83, %dma_wait3A_84] : memref<10112x128xf32, #tpu.memory_space<vmem_shared>> -> memref<10112x128xf32, #tpu.memory_space<vmem_shared>>
      tpu.wait_indirect_dma semaphore(%arg14 : memref<!tpu.dma_semaphore, #tpu.memory_space<semaphore_mem>>) src(%arg8 : memref<128x128xf32, #tpu.memory_space<vmem>>) dst(%dma_wait3A_85 : memref<10112x128xf32, #tpu.memory_space<vmem_shared>>)
    }
    %scan3A_19 = arith.constant 20 : i32
    %run_scoped3A_20 = arith.constant 0 : i32
    "tpu.region"() ({
      %run_scoped3A_33 = tpu.sem_alloc : memref<!tpu.dma_semaphore, #tpu.memory_space<semaphore_mem>>
      %dma_start3A = arith.constant 40 : i32
      %dma_start3A_34 = arith.constant 0 : i32
      %dma_start3A_35 = tpu.memref_slice %arg3[%run_scoped3A_20, %add3A, %dma_start3A, %dma_start3A_34] : memref<2x32x80x128xi32, #tpu.memory_space<hbm>> -> memref<1x1x40x128xi32, #tpu.memory_space<hbm>>
      %dma_start3A_36 = tpu.memref_squeeze %dma_start3A_35 : memref<1x1x40x128xi32, #tpu.memory_space<hbm>> -> memref<40x128xi32, #tpu.memory_space<hbm>>
      %dma_start3A_37 = arith.constant 40 : i32
      %dma_start3A_38 = arith.constant 0 : i32
      %dma_start3A_39 = tpu.memref_slice %arg3[%run_scoped3A_20, %add3A, %dma_start3A_37, %dma_start3A_38] : memref<2x32x80x128xi32, #tpu.memory_space<hbm>> -> memref<1x1x40x128xi32, #tpu.memory_space<hbm>>
      %dma_start3A_40 = tpu.memref_squeeze %dma_start3A_39 : memref<1x1x40x128xi32, #tpu.memory_space<hbm>> -> memref<40x128xi32, #tpu.memory_space<hbm>>
      tpu.enqueue_dma source(%dma_start3A_40 : memref<40x128xi32, #tpu.memory_space<hbm>>) target(%arg5 : memref<40x128xi32, #tpu.memory_space<vmem>>) target_semaphore(%run_scoped3A_33 : memref<!tpu.dma_semaphore, #tpu.memory_space<semaphore_mem>>)
      %dma_wait3A = arith.constant 40 : i32
      %dma_wait3A_41 = arith.constant 0 : i32
      %dma_wait3A_42 = tpu.memref_slice %arg3[%run_scoped3A_20, %add3A, %dma_wait3A, %dma_wait3A_41] : memref<2x32x80x128xi32, #tpu.memory_space<hbm>> -> memref<1x1x40x128xi32, #tpu.memory_space<hbm>>
      %dma_wait3A_43 = tpu.memref_squeeze %dma_wait3A_42 : memref<1x1x40x128xi32, #tpu.memory_space<hbm>> -> memref<40x128xi32, #tpu.memory_space<hbm>>
      %dma_wait3A_44 = arith.constant 40 : i32
      %dma_wait3A_45 = arith.constant 0 : i32
      %dma_wait3A_46 = tpu.memref_slice %arg3[%run_scoped3A_20, %add3A, %dma_wait3A_44, %dma_wait3A_45] : memref<2x32x80x128xi32, #tpu.memory_space<hbm>> -> memref<1x1x40x128xi32, #tpu.memory_space<hbm>>
      %dma_wait3A_47 = tpu.memref_squeeze %dma_wait3A_46 : memref<1x1x40x128xi32, #tpu.memory_space<hbm>> -> memref<40x128xi32, #tpu.memory_space<hbm>>
      tpu.wait_dma2 semaphore(%run_scoped3A_33 : memref<!tpu.dma_semaphore, #tpu.memory_space<semaphore_mem>>) src(%dma_wait3A_47 : memref<40x128xi32, #tpu.memory_space<hbm>>) dst(%arg5 : memref<40x128xi32, #tpu.memory_space<vmem>>)
      tpu.yield
    }) : () -> ()
    %run_scoped3A_21 = arith.constant 1 : i32
    "tpu.region"() ({
      %run_scoped3A_33 = tpu.sem_alloc : memref<!tpu.dma_semaphore, #tpu.memory_space<semaphore_mem>>
      %dma_start3A = arith.constant 40 : i32
      %dma_start3A_34 = arith.constant 0 : i32
      %dma_start3A_35 = tpu.memref_slice %arg3[%run_scoped3A_21, %add3A, %dma_start3A, %dma_start3A_34] : memref<2x32x80x128xi32, #tpu.memory_space<hbm>> -> memref<1x1x40x128xi32, #tpu.memory_space<hbm>>
      %dma_start3A_36 = tpu.memref_squeeze %dma_start3A_35 : memref<1x1x40x128xi32, #tpu.memory_space<hbm>> -> memref<40x128xi32, #tpu.memory_space<hbm>>
      %dma_start3A_37 = arith.constant 40 : i32
      %dma_start3A_38 = arith.constant 0 : i32
      %dma_start3A_39 = tpu.memref_slice %arg3[%run_scoped3A_21, %add3A, %dma_start3A_37, %dma_start3A_38] : memref<2x32x80x128xi32, #tpu.memory_space<hbm>> -> memref<1x1x40x128xi32, #tpu.memory_space<hbm>>
      %dma_start3A_40 = tpu.memref_squeeze %dma_start3A_39 : memref<1x1x40x128xi32, #tpu.memory_space<hbm>> -> memref<40x128xi32, #tpu.memory_space<hbm>>
      tpu.enqueue_dma source(%dma_start3A_40 : memref<40x128xi32, #tpu.memory_space<hbm>>) target(%arg6 : memref<40x128xi32, #tpu.memory_space<vmem>>) target_semaphore(%run_scoped3A_33 : memref<!tpu.dma_semaphore, #tpu.memory_space<semaphore_mem>>)
      %dma_wait3A = arith.constant 40 : i32
      %dma_wait3A_41 = arith.constant 0 : i32
      %dma_wait3A_42 = tpu.memref_slice %arg3[%run_scoped3A_21, %add3A, %dma_wait3A, %dma_wait3A_41] : memref<2x32x80x128xi32, #tpu.memory_space<hbm>> -> memref<1x1x40x128xi32, #tpu.memory_space<hbm>>
      %dma_wait3A_43 = tpu.memref_squeeze %dma_wait3A_42 : memref<1x1x40x128xi32, #tpu.memory_space<hbm>> -> memref<40x128xi32, #tpu.memory_space<hbm>>
      %dma_wait3A_44 = arith.constant 40 : i32
      %dma_wait3A_45 = arith.constant 0 : i32
      %dma_wait3A_46 = tpu.memref_slice %arg3[%run_scoped3A_21, %add3A, %dma_wait3A_44, %dma_wait3A_45] : memref<2x32x80x128xi32, #tpu.memory_space<hbm>> -> memref<1x1x40x128xi32, #tpu.memory_space<hbm>>
      %dma_wait3A_47 = tpu.memref_squeeze %dma_wait3A_46 : memref<1x1x40x128xi32, #tpu.memory_space<hbm>> -> memref<40x128xi32, #tpu.memory_space<hbm>>
      tpu.wait_dma2 semaphore(%run_scoped3A_33 : memref<!tpu.dma_semaphore, #tpu.memory_space<semaphore_mem>>) src(%dma_wait3A_47 : memref<40x128xi32, #tpu.memory_space<hbm>>) dst(%arg6 : memref<40x128xi32, #tpu.memory_space<vmem>>)
      tpu.yield
    }) : () -> ()
    %scan3A_22 = arith.constant 0 : i32
    %scan3A_23 = arith.constant 0 : i32
    %scan3A_24 = arith.constant 20 : i32
    %scan3A_25 = arith.addi %scan3A_23, %scan3A_24 : i32
    %scan3A_26 = arith.constant 1 : i32
    scf.for %scan3A_33 = %scan3A_23 to %scan3A_25 step %scan3A_26  : i32 {
      %mul3A_34 = arith.constant 2 : i32
      %mul3A_35 = arith.muli %mul3A_34, %scan3A_33 : i32
      %dma_start3A = arith.constant 0 : i32
      %dma_start3A_36 = tpu.memref_slice %arg5[%mul3A_35, %dma_start3A] : memref<40x128xi32, #tpu.memory_space<vmem>> -> memref<1x128xi32, #tpu.memory_space<vmem>>
      %dma_start3A_37 = tpu.memref_squeeze %dma_start3A_36 : memref<1x128xi32, #tpu.memory_space<vmem>> -> memref<128xi32, #tpu.memory_space<vmem>>
      %dma_start3A_38 = arith.constant 0 : i32
      %dma_start3A_39 = arith.constant 0 : i32
      %dma_start3A_40 = tpu.memref_slice %arg2[%dma_start3A_38, %dma_start3A_39] : memref<10000x128xf32, #tpu.memory_space<hbm>> -> memref<10000x128xf32, #tpu.memory_space<hbm>>
      tpu.enqueue_indirect_dma source(%dma_start3A_40 : memref<10000x128xf32, #tpu.memory_space<hbm>>) target(%arg7 : memref<128x128xf32, #tpu.memory_space<vmem>>) offsets(%dma_start3A_37 : memref<128xi32, #tpu.memory_space<vmem>>) semaphore(%arg11 : memref<!tpu.dma_semaphore, #tpu.memory_space<semaphore_mem>>)
      %add3A_41 = arith.constant 1 : i32
      %add3A_42 = arith.addi %mul3A_35, %add3A_41 : i32
      %dma_start3A_43 = arith.constant 0 : i32
      %dma_start3A_44 = tpu.memref_slice %arg5[%add3A_42, %dma_start3A_43] : memref<40x128xi32, #tpu.memory_space<vmem>> -> memref<1x128xi32, #tpu.memory_space<vmem>>
      %dma_start3A_45 = tpu.memref_squeeze %dma_start3A_44 : memref<1x128xi32, #tpu.memory_space<vmem>> -> memref<128xi32, #tpu.memory_space<vmem>>
      %dma_start3A_46 = arith.constant 0 : i32
      %dma_start3A_47 = arith.constant 0 : i32
      %dma_start3A_48 = tpu.memref_slice %arg2[%dma_start3A_46, %dma_start3A_47] : memref<10000x128xf32, #tpu.memory_space<hbm>> -> memref<10000x128xf32, #tpu.memory_space<hbm>>
      tpu.enqueue_indirect_dma source(%dma_start3A_48 : memref<10000x128xf32, #tpu.memory_space<hbm>>) target(%arg8 : memref<128x128xf32, #tpu.memory_space<vmem>>) offsets(%dma_start3A_45 : memref<128xi32, #tpu.memory_space<vmem>>) semaphore(%arg12 : memref<!tpu.dma_semaphore, #tpu.memory_space<semaphore_mem>>)
      %dma_wait3A = arith.constant 0 : i32
      %dma_wait3A_49 = tpu.memref_slice %arg5[%mul3A_35, %dma_wait3A] : memref<40x128xi32, #tpu.memory_space<vmem>> -> memref<1x128xi32, #tpu.memory_space<vmem>>
      %dma_wait3A_50 = tpu.memref_squeeze %dma_wait3A_49 : memref<1x128xi32, #tpu.memory_space<vmem>> -> memref<128xi32, #tpu.memory_space<vmem>>
      %dma_wait3A_51 = arith.constant 0 : i32
      %dma_wait3A_52 = arith.constant 0 : i32
      %dma_wait3A_53 = tpu.memref_slice %arg2[%dma_wait3A_51, %dma_wait3A_52] : memref<10000x128xf32, #tpu.memory_space<hbm>> -> memref<10000x128xf32, #tpu.memory_space<hbm>>
      tpu.wait_indirect_dma semaphore(%arg11 : memref<!tpu.dma_semaphore, #tpu.memory_space<semaphore_mem>>) src(%dma_wait3A_53 : memref<10000x128xf32, #tpu.memory_space<hbm>>) dst(%arg7 : memref<128x128xf32, #tpu.memory_space<vmem>>)
      %dma_start3A_54 = arith.constant 0 : i32
      %dma_start3A_55 = tpu.memref_slice %arg6[%mul3A_35, %dma_start3A_54] : memref<40x128xi32, #tpu.memory_space<vmem>> -> memref<1x128xi32, #tpu.memory_space<vmem>>
      %dma_start3A_56 = tpu.memref_squeeze %dma_start3A_55 : memref<1x128xi32, #tpu.memory_space<vmem>> -> memref<128xi32, #tpu.memory_space<vmem>>
      %dma_start3A_57 = arith.constant 0 : i32
      %dma_start3A_58 = arith.constant 0 : i32
      %dma_start3A_59 = tpu.memref_slice %arg10[%dma_start3A_57, %dma_start3A_58] : memref<10112x128xf32, #tpu.memory_space<vmem_shared>> -> memref<10112x128xf32, #tpu.memory_space<vmem_shared>>
      tpu.enqueue_indirect_dma source(%arg7 : memref<128x128xf32, #tpu.memory_space<vmem>>) target(%dma_start3A_59 : memref<10112x128xf32, #tpu.memory_space<vmem_shared>>) offsets(%dma_start3A_56 : memref<128xi32, #tpu.memory_space<vmem>>) semaphore(%arg13 : memref<!tpu.dma_semaphore, #tpu.memory_space<semaphore_mem>>) {add = true}
      %dma_wait3A_60 = arith.constant 0 : i32
      %dma_wait3A_61 = tpu.memref_slice %arg5[%add3A_42, %dma_wait3A_60] : memref<40x128xi32, #tpu.memory_space<vmem>> -> memref<1x128xi32, #tpu.memory_space<vmem>>
      %dma_wait3A_62 = tpu.memref_squeeze %dma_wait3A_61 : memref<1x128xi32, #tpu.memory_space<vmem>> -> memref<128xi32, #tpu.memory_space<vmem>>
      %dma_wait3A_63 = arith.constant 0 : i32
      %dma_wait3A_64 = arith.constant 0 : i32
      %dma_wait3A_65 = tpu.memref_slice %arg2[%dma_wait3A_63, %dma_wait3A_64] : memref<10000x128xf32, #tpu.memory_space<hbm>> -> memref<10000x128xf32, #tpu.memory_space<hbm>>
      tpu.wait_indirect_dma semaphore(%arg12 : memref<!tpu.dma_semaphore, #tpu.memory_space<semaphore_mem>>) src(%dma_wait3A_65 : memref<10000x128xf32, #tpu.memory_space<hbm>>) dst(%arg8 : memref<128x128xf32, #tpu.memory_space<vmem>>)
      %add3A_66 = arith.constant 1 : i32
      %add3A_67 = arith.addi %mul3A_35, %add3A_66 : i32
      %dma_start3A_68 = arith.constant 0 : i32
      %dma_start3A_69 = tpu.memref_slice %arg6[%add3A_67, %dma_start3A_68] : memref<40x128xi32, #tpu.memory_space<vmem>> -> memref<1x128xi32, #tpu.memory_space<vmem>>
      %dma_start3A_70 = tpu.memref_squeeze %dma_start3A_69 : memref<1x128xi32, #tpu.memory_space<vmem>> -> memref<128xi32, #tpu.memory_space<vmem>>
      %dma_start3A_71 = arith.constant 0 : i32
      %dma_start3A_72 = arith.constant 0 : i32
      %dma_start3A_73 = tpu.memref_slice %arg10[%dma_start3A_71, %dma_start3A_72] : memref<10112x128xf32, #tpu.memory_space<vmem_shared>> -> memref<10112x128xf32, #tpu.memory_space<vmem_shared>>
      tpu.enqueue_indirect_dma source(%arg8 : memref<128x128xf32, #tpu.memory_space<vmem>>) target(%dma_start3A_73 : memref<10112x128xf32, #tpu.memory_space<vmem_shared>>) offsets(%dma_start3A_70 : memref<128xi32, #tpu.memory_space<vmem>>) semaphore(%arg14 : memref<!tpu.dma_semaphore, #tpu.memory_space<semaphore_mem>>) {add = true}
      %dma_wait3A_74 = arith.constant 0 : i32
      %dma_wait3A_75 = tpu.memref_slice %arg6[%mul3A_35, %dma_wait3A_74] : memref<40x128xi32, #tpu.memory_space<vmem>> -> memref<1x128xi32, #tpu.memory_space<vmem>>
      %dma_wait3A_76 = tpu.memref_squeeze %dma_wait3A_75 : memref<1x128xi32, #tpu.memory_space<vmem>> -> memref<128xi32, #tpu.memory_space<vmem>>
      %dma_wait3A_77 = arith.constant 0 : i32
      %dma_wait3A_78 = arith.constant 0 : i32
      %dma_wait3A_79 = tpu.memref_slice %arg10[%dma_wait3A_77, %dma_wait3A_78] : memref<10112x128xf32, #tpu.memory_space<vmem_shared>> -> memref<10112x128xf32, #tpu.memory_space<vmem_shared>>
      tpu.wait_indirect_dma semaphore(%arg13 : memref<!tpu.dma_semaphore, #tpu.memory_space<semaphore_mem>>) src(%arg7 : memref<128x128xf32, #tpu.memory_space<vmem>>) dst(%dma_wait3A_79 : memref<10112x128xf32, #tpu.memory_space<vmem_shared>>)
      %dma_wait3A_80 = arith.constant 0 : i32
      %dma_wait3A_81 = tpu.memref_slice %arg6[%add3A_67, %dma_wait3A_80] : memref<40x128xi32, #tpu.memory_space<vmem>> -> memref<1x128xi32, #tpu.memory_space<vmem>>
      %dma_wait3A_82 = tpu.memref_squeeze %dma_wait3A_81 : memref<1x128xi32, #tpu.memory_space<vmem>> -> memref<128xi32, #tpu.memory_space<vmem>>
      %dma_wait3A_83 = arith.constant 0 : i32
      %dma_wait3A_84 = arith.constant 0 : i32
      %dma_wait3A_85 = tpu.memref_slice %arg10[%dma_wait3A_83, %dma_wait3A_84] : memref<10112x128xf32, #tpu.memory_space<vmem_shared>> -> memref<10112x128xf32, #tpu.memory_space<vmem_shared>>
      tpu.wait_indirect_dma semaphore(%arg14 : memref<!tpu.dma_semaphore, #tpu.memory_space<semaphore_mem>>) src(%arg8 : memref<128x128xf32, #tpu.memory_space<vmem>>) dst(%dma_wait3A_85 : memref<10112x128xf32, #tpu.memory_space<vmem_shared>>)
    }
    %scan3A_27 = arith.constant 20 : i32
    %barrier3A_28 = arith.constant 0 : index
    tpu.barrier barrier_id(%barrier3A_28)
    %mul3A_29 = arith.constant 632 : i32
    %mul3A_30 = arith.muli %arg1, %mul3A_29 : i32
    %mul3A_31 = arith.constant 632 : i32
    %mul3A_32 = arith.muli %arg1, %mul3A_31 : i32
    "tpu.region"() ({
      %run_scoped3A_33 = tpu.sem_alloc : memref<!tpu.dma_semaphore, #tpu.memory_space<semaphore_mem>>
      %dma_start3A = arith.constant 0 : i32
      %dma_start3A_34 = tpu.memref_slice %arg4[%arg0, %mul3A_32, %dma_start3A] : memref<2x10112x128xf32, #tpu.memory_space<hbm>> -> memref<1x632x128xf32, #tpu.memory_space<hbm>>
      %dma_start3A_35 = tpu.memref_squeeze %dma_start3A_34 : memref<1x632x128xf32, #tpu.memory_space<hbm>> -> memref<632x128xf32, #tpu.memory_space<hbm>>
      %dma_start3A_36 = arith.constant 0 : i32
      %dma_start3A_37 = tpu.memref_slice %arg10[%mul3A_30, %dma_start3A_36] : memref<10112x128xf32, #tpu.memory_space<vmem_shared>> -> memref<632x128xf32, #tpu.memory_space<vmem_shared>>
      tpu.enqueue_dma source(%dma_start3A_37 : memref<632x128xf32, #tpu.memory_space<vmem_shared>>) target(%dma_start3A_35 : memref<632x128xf32, #tpu.memory_space<hbm>>) target_semaphore(%run_scoped3A_33 : memref<!tpu.dma_semaphore, #tpu.memory_space<semaphore_mem>>)
      %dma_wait3A = arith.constant 0 : i32
      %dma_wait3A_38 = tpu.memref_slice %arg4[%arg0, %mul3A_32, %dma_wait3A] : memref<2x10112x128xf32, #tpu.memory_space<hbm>> -> memref<1x632x128xf32, #tpu.memory_space<hbm>>
      %dma_wait3A_39 = tpu.memref_squeeze %dma_wait3A_38 : memref<1x632x128xf32, #tpu.memory_space<hbm>> -> memref<632x128xf32, #tpu.memory_space<hbm>>
      %dma_wait3A_40 = arith.constant 0 : i32
      %dma_wait3A_41 = tpu.memref_slice %arg10[%mul3A_30, %dma_wait3A_40] : memref<10112x128xf32, #tpu.memory_space<vmem_shared>> -> memref<632x128xf32, #tpu.memory_space<vmem_shared>>
      tpu.wait_dma2 semaphore(%run_scoped3A_33 : memref<!tpu.dma_semaphore, #tpu.memory_space<semaphore_mem>>) src(%dma_wait3A_41 : memref<632x128xf32, #tpu.memory_space<vmem_shared>>) dst(%dma_wait3A_39 : memref<632x128xf32, #tpu.memory_space<hbm>>)
      tpu.yield
    }) : () -> ()
    return
  }
}

module attributes {stable_mosaic.version = 14 : i64} {
  func.func @_tc0_body(%arg0: memref<32x1x10112xf32, #tpu.memory_space<vmem>>, %arg1: memref<10000x1xf32, #tpu.memory_space<vmem>>) attributes {dimension_semantics = [], scalar_prefetch = 0 : i64, scratch_operands = 0 : i64, tpu.core_type = #tpu.core_type<tc>} {
    %get3A = arith.constant 0 : index
    %get3A_0 = arith.constant 0 : index
    %get3A_1 = arith.constant 0 : index
    %get3A_2 = vector.load %arg0[%get3A, %get3A_0, %get3A_1] : memref<32x1x10112xf32, #tpu.memory_space<vmem>>, vector<32x1x10112xf32>
    %slice3A = vector.extract_strided_slice %get3A_2 {offsets = [0, 0, 0], sizes = [32, 1, 10000], strides = [1, 1, 1]} : vector<32x1x10112xf32> to vector<32x1x10000xf32>
    %squeeze3A = vector.shape_cast %slice3A : vector<32x1x10000xf32> to vector<32x10000xf32>
    %reduce_sum3A = arith.constant dense<0.000000e+00> : vector<10000xf32>
    %reduce_sum3A_3 = vector.multi_reduction <add>, %squeeze3A, %reduce_sum3A [0] : vector<32x10000xf32> to vector<10000xf32>
    %add3A = arith.constant 1.000000e+00 : f32
    %add3A_4 = vector.broadcast %add3A : f32 to vector<10000xf32>
    %add3A_5 = arith.addf %reduce_sum3A_3, %add3A_4 : vector<10000xf32>
    %rsqrt3A = math.rsqrt %add3A_5 : vector<10000xf32>
    %broadcast_in_dim3A = vector.shape_cast %rsqrt3A : vector<10000xf32> to vector<10000x1xf32>
    %swap3A = arith.constant 0 : index
    %swap3A_6 = arith.constant 0 : index
    %swap3A_7 = vector.load %arg1[%swap3A, %swap3A_6] : memref<10000x1xf32, #tpu.memory_space<vmem>>, vector<10000x1xf32>
    tpu.vector_store %arg1[%swap3A, %swap3A_6], %broadcast_in_dim3A {strides = array<i32>} : memref<10000x1xf32, #tpu.memory_space<vmem>>, vector<10000x1xf32>,
    return
  }
}

module attributes {stable_mosaic.version = 14 : i64} {
  func.func @_tc1_body(%arg0: i32, %arg1: memref<1000x1xf32, #tpu.memory_space<vmem>>, %arg2: memref<1000x128xf32, #tpu.memory_space<vmem>>, %arg3: memref<128x128xf32, #tpu.memory_space<vmem>>, %arg4: memref<1000x128xf32, #tpu.memory_space<vmem>>) attributes {dimension_semantics = [#tpu.dimension_semantics<arbitrary>], iteration_bounds = array<i64: 10>, scalar_prefetch = 0 : i64, scratch_operands = 0 : i64, tpu.core_type = #tpu.core_type<tc>, window_params = [{transform_indices = @transform_0, window_bounds = array<i64: 1000, 1>}, {transform_indices = @transform_1, window_bounds = array<i64: 1000, 128>}, {pipeline_mode = #tpu.pipeline_mode<synchronous>, transform_indices = @transform_2, window_bounds = array<i64: 128, 128>}, {transform_indices = @transform_3, window_bounds = array<i64: 1000, 128>}]} {
    %get3A = arith.constant 0 : index
    %get3A_0 = arith.constant 0 : index
    %get3A_1 = vector.load %arg2[%get3A, %get3A_0] : memref<1000x128xf32, #tpu.memory_space<vmem>>, vector<1000x128xf32>
    %get3A_2 = arith.constant 0 : index
    %get3A_3 = arith.constant 0 : index
    %get3A_4 = vector.load %arg3[%get3A_2, %get3A_3] : memref<128x128xf32, #tpu.memory_space<vmem>>, vector<128x128xf32>
    %dot_general3A = arith.constant dense<0.000000e+00> : vector<1000x128xf32>
    %dot_general3A_5 = tpu.matmul %get3A_1, %get3A_4, %dot_general3A {dimension_numbers = #tpu.dot_dimension_numbers<[1], [0], [0], [1], [0, 0, 1, 1], [], []>, transpose_lhs_hint = false} : vector<1000x128xf32>, vector<128x128xf32>, vector<1000x128xf32> -> vector<1000x128xf32>
    %get3A_6 = arith.constant 0 : index
    %get3A_7 = arith.constant 0 : index
    %get3A_8 = vector.load %arg1[%get3A_6, %get3A_7] : memref<1000x1xf32, #tpu.memory_space<vmem>>, vector<1000x1xf32>
    %mul3A = vector.broadcast %get3A_8 : vector<1000x1xf32> to vector<1000x128xf32>
    %mul3A_9 = arith.mulf %dot_general3A_5, %mul3A : vector<1000x128xf32>
    %swap3A = arith.constant 0 : index
    %swap3A_10 = arith.constant 0 : index
    %swap3A_11 = vector.load %arg4[%swap3A, %swap3A_10] : memref<1000x128xf32, #tpu.memory_space<vmem>>, vector<1000x128xf32>
    tpu.vector_store %arg4[%swap3A, %swap3A_10], %mul3A_9 {strides = array<i32>} : memref<1000x128xf32, #tpu.memory_space<vmem>>, vector<1000x128xf32>,
    return
  }
  func.func @transform_0(%arg0: i32) -> (i32, i32) {
    %c0_i32 = arith.constant 0 : i32
    %c0_i32_0 = arith.constant 0 : i32
    return %arg0, %c0_i32 : i32, i32
  }
  func.func @transform_1(%arg0: i32) -> (i32, i32) {
    %c0_i32 = arith.constant 0 : i32
    %c0_i32_0 = arith.constant 0 : i32
    return %arg0, %c0_i32 : i32, i32
  }
  func.func @transform_2(%arg0: i32) -> (i32, i32) {
    %c0_i32 = arith.constant 0 : i32
    %c0_i32_0 = arith.constant 0 : i32
    %c0_i32_1 = arith.constant 0 : i32
    return %c0_i32, %c0_i32_0 : i32, i32
  }
  func.func @transform_3(%arg0: i32) -> (i32, i32) {
    %c0_i32 = arith.constant 0 : i32
    %c0_i32_0 = arith.constant 0 : i32
    return %arg0, %c0_i32 : i32, i32
  }
}

module attributes {stable_mosaic.version = 14 : i64} {
  func.func @_stats_body(%arg0: i32, %arg1: memref<2x1000x128xf32, #tpu.memory_space<vmem>>, %arg2: memref<1000x128xf32, #tpu.memory_space<vmem>>, %arg3: memref<1000x1xf32, #tpu.memory_space<vmem>>, %arg4: memref<1x128xf32, #tpu.memory_space<vmem>>, %arg5: memref<1000x1xi32, #tpu.memory_space<vmem>>, %arg6: memref<1000x128xf32, #tpu.memory_space<vmem>>, %arg7: memref<64x128xf32, #tpu.memory_space<vmem>>, %arg8: memref<64x128xf32, #tpu.memory_space<vmem>>, %arg9: memref<64x1xf32, #tpu.memory_space<vmem>>) attributes {dimension_semantics = [#tpu.dimension_semantics<arbitrary>], iteration_bounds = array<i64: 10>, scalar_prefetch = 0 : i64, scratch_operands = 0 : i64, tpu.core_type = #tpu.core_type<tc>, window_params = [{transform_indices = @transform_0, window_bounds = array<i64: 2, 1000, 128>}, {transform_indices = @transform_1, window_bounds = array<i64: 1000, 128>}, {transform_indices = @transform_2, window_bounds = array<i64: 1000, 1>}, {pipeline_mode = #tpu.pipeline_mode<synchronous>, transform_indices = @transform_3, window_bounds = array<i64: 1, 128>}, {transform_indices = @transform_4, window_bounds = array<i64: 1000, 1>}, {transform_indices = @transform_5, window_bounds = array<i64: 1000, 128>}, {pipeline_mode = #tpu.pipeline_mode<synchronous>, transform_indices = @transform_6, window_bounds = array<i64: 64, 128>}, {pipeline_mode = #tpu.pipeline_mode<synchronous>, transform_indices = @transform_7, window_bounds = array<i64: 64, 128>}, {pipeline_mode = #tpu.pipeline_mode<synchronous>, transform_indices = @transform_8, window_bounds = array<i64: 64, 1>}]} {
    %get3A = arith.constant 0 : index
    %get3A_0 = arith.constant 0 : index
    %get3A_1 = vector.load %arg3[%get3A, %get3A_0] : memref<1000x1xf32, #tpu.memory_space<vmem>>, vector<1000x1xf32>
    %get3A_2 = arith.constant 0 : index
    %get3A_3 = arith.constant 0 : index
    %get3A_4 = arith.constant 0 : index
    %get3A_5 = vector.load %arg1[%get3A_2, %get3A_3, %get3A_4] : memref<2x1000x128xf32, #tpu.memory_space<vmem>>, vector<1x1000x128xf32>
    %get3A_6 = vector.shape_cast %get3A_5 : vector<1x1000x128xf32> to vector<1000x128xf32>
    %get3A_7 = arith.constant 1 : index
    %get3A_8 = arith.constant 0 : index
    %get3A_9 = arith.constant 0 : index
    %get3A_10 = vector.load %arg1[%get3A_7, %get3A_8, %get3A_9] : memref<2x1000x128xf32, #tpu.memory_space<vmem>>, vector<1x1000x128xf32>
    %get3A_11 = vector.shape_cast %get3A_10 : vector<1x1000x128xf32> to vector<1000x128xf32>
    %add3A = arith.addf %get3A_6, %get3A_11 : vector<1000x128xf32>
    %get3A_12 = arith.constant 0 : index
    %get3A_13 = arith.constant 0 : index
    %get3A_14 = vector.load %arg2[%get3A_12, %get3A_13] : memref<1000x128xf32, #tpu.memory_space<vmem>>, vector<1000x128xf32>
    %add3A_15 = arith.addf %add3A, %get3A_14 : vector<1000x128xf32>
    %mul3A = vector.broadcast %get3A_1 : vector<1000x1xf32> to vector<1000x128xf32>
    %mul3A_16 = arith.mulf %mul3A, %add3A_15 : vector<1000x128xf32>
    %get3A_17 = arith.constant 0 : index
    %get3A_18 = arith.constant 0 : index
    %get3A_19 = vector.load %arg4[%get3A_17, %get3A_18] : memref<1x128xf32, #tpu.memory_space<vmem>>, vector<1x128xf32>
    %add3A_20 = vector.broadcast %get3A_19 : vector<1x128xf32> to vector<1000x128xf32>
    %add3A_21 = arith.addf %mul3A_16, %add3A_20 : vector<1000x128xf32>
    %swap3A = arith.constant 0 : index
    %swap3A_22 = arith.constant 0 : index
    %swap3A_23 = vector.load %arg6[%swap3A, %swap3A_22] : memref<1000x128xf32, #tpu.memory_space<vmem>>, vector<1000x128xf32>
    tpu.vector_store %arg6[%swap3A, %swap3A_22], %add3A_21 {strides = array<i32>} : memref<1000x128xf32, #tpu.memory_space<vmem>>, vector<1000x128xf32>,
    %get3A_24 = arith.constant 0 : index
    %get3A_25 = arith.constant 0 : index
    %get3A_26 = vector.load %arg5[%get3A_24, %get3A_25] : memref<1000x1xi32, #tpu.memory_space<vmem>>, vector<1000x1xi32>
    %iota3A = tpu.iota {dimensions = array<i32: 1>} : vector<1000x64xi32>
    %eq3A = vector.broadcast %get3A_26 : vector<1000x1xi32> to vector<1000x64xi32>
    %eq3A_27 = arith.cmpi eq, %eq3A, %iota3A : vector<1000x64xi32>
    %convert_element_type3A = arith.extui %eq3A_27 : vector<1000x64xi1> to vector<1000x64xi32>
    %convert_element_type3A_28 = arith.sitofp %convert_element_type3A : vector<1000x64xi32> to vector<1000x64xf32>
    %dot_general3A = arith.constant dense<0.000000e+00> : vector<64x128xf32>
    %dot_general3A_29 = tpu.matmul %convert_element_type3A_28, %add3A_21, %dot_general3A {dimension_numbers = #tpu.dot_dimension_numbers<[0], [0], [1], [1], [0, 1, 1, 1], [], []>, precision = #tpu.contract_precision<fp32>, transpose_lhs_hint = false} : vector<1000x64xf32>, vector<1000x128xf32>, vector<64x128xf32> -> vector<64x128xf32>
    %mul3A_30 = arith.mulf %add3A_21, %add3A_21 : vector<1000x128xf32>
    %dot_general3A_31 = arith.constant dense<0.000000e+00> : vector<64x128xf32>
    %dot_general3A_32 = tpu.matmul %convert_element_type3A_28, %mul3A_30, %dot_general3A_31 {dimension_numbers = #tpu.dot_dimension_numbers<[0], [0], [1], [1], [0, 1, 1, 1], [], []>, precision = #tpu.contract_precision<fp32>, transpose_lhs_hint = false} : vector<1000x64xf32>, vector<1000x128xf32>, vector<64x128xf32> -> vector<64x128xf32>
    %reduce_sum3A = arith.constant dense<0.000000e+00> : vector<64xf32>
    %reduce_sum3A_33 = vector.multi_reduction <add>, %convert_element_type3A_28, %reduce_sum3A [0] : vector<1000x64xf32> to vector<64xf32>
    %broadcast_in_dim3A = vector.shape_cast %reduce_sum3A_33 : vector<64xf32> to vector<64x1xf32>
    %eq3A_34 = arith.constant 0 : i32
    %eq3A_35 = arith.cmpi eq, %arg0, %eq3A_34 : i32
    %convert_element_type3A_36 = arith.extui %eq3A_35 : i1 to i32
    %cond3A = arith.constant 0 : i32
    %cond3A_37 = arith.cmpi ne, %convert_element_type3A_36, %cond3A : i32
    scf.if %cond3A_37 {
      %broadcast_in_dim3A_59 = arith.constant 0.000000e+00 : f32
      %broadcast_in_dim3A_60 = vector.broadcast %broadcast_in_dim3A_59 : f32 to vector<64x128xf32>
      %swap3A_61 = arith.constant 0 : index
      %swap3A_62 = arith.constant 0 : index
      %swap3A_63 = vector.load %arg7[%swap3A_61, %swap3A_62] : memref<64x128xf32, #tpu.memory_space<vmem>>, vector<64x128xf32>
      tpu.vector_store %arg7[%swap3A_61, %swap3A_62], %broadcast_in_dim3A_60 {strides = array<i32>} : memref<64x128xf32, #tpu.memory_space<vmem>>, vector<64x128xf32>,
      %broadcast_in_dim3A_64 = arith.constant 0.000000e+00 : f32
      %broadcast_in_dim3A_65 = vector.broadcast %broadcast_in_dim3A_64 : f32 to vector<64x128xf32>
      %swap3A_66 = arith.constant 0 : index
      %swap3A_67 = arith.constant 0 : index
      %swap3A_68 = vector.load %arg8[%swap3A_66, %swap3A_67] : memref<64x128xf32, #tpu.memory_space<vmem>>, vector<64x128xf32>
      tpu.vector_store %arg8[%swap3A_66, %swap3A_67], %broadcast_in_dim3A_65 {strides = array<i32>} : memref<64x128xf32, #tpu.memory_space<vmem>>, vector<64x128xf32>,
      %broadcast_in_dim3A_69 = arith.constant 0.000000e+00 : f32
      %broadcast_in_dim3A_70 = vector.broadcast %broadcast_in_dim3A_69 : f32 to vector<64x1xf32>
      %swap3A_71 = arith.constant 0 : index
      %swap3A_72 = arith.constant 0 : index
      %swap3A_73 = vector.load %arg9[%swap3A_71, %swap3A_72] : memref<64x1xf32, #tpu.memory_space<vmem>>, vector<64x1xf32>
      tpu.vector_store %arg9[%swap3A_71, %swap3A_72], %broadcast_in_dim3A_70 {strides = array<i32>} : memref<64x1xf32, #tpu.memory_space<vmem>>, vector<64x1xf32>,
    } else {
    }
    %get3A_38 = arith.constant 0 : index
    %get3A_39 = arith.constant 0 : index
    %get3A_40 = vector.load %arg7[%get3A_38, %get3A_39] : memref<64x128xf32, #tpu.memory_space<vmem>>, vector<64x128xf32>
    %add3A_41 = arith.addf %get3A_40, %dot_general3A_29 : vector<64x128xf32>
    %swap3A_42 = arith.constant 0 : index
    %swap3A_43 = arith.constant 0 : index
    %swap3A_44 = vector.load %arg7[%swap3A_42, %swap3A_43] : memref<64x128xf32, #tpu.memory_space<vmem>>, vector<64x128xf32>
    tpu.vector_store %arg7[%swap3A_42, %swap3A_43], %add3A_41 {strides = array<i32>} : memref<64x128xf32, #tpu.memory_space<vmem>>, vector<64x128xf32>,
    %get3A_45 = arith.constant 0 : index
    %get3A_46 = arith.constant 0 : index
    %get3A_47 = vector.load %arg8[%get3A_45, %get3A_46] : memref<64x128xf32, #tpu.memory_space<vmem>>, vector<64x128xf32>
    %add3A_48 = arith.addf %get3A_47, %dot_general3A_32 : vector<64x128xf32>
    %swap3A_49 = arith.constant 0 : index
    %swap3A_50 = arith.constant 0 : index
    %swap3A_51 = vector.load %arg8[%swap3A_49, %swap3A_50] : memref<64x128xf32, #tpu.memory_space<vmem>>, vector<64x128xf32>
    tpu.vector_store %arg8[%swap3A_49, %swap3A_50], %add3A_48 {strides = array<i32>} : memref<64x128xf32, #tpu.memory_space<vmem>>, vector<64x128xf32>,
    %get3A_52 = arith.constant 0 : index
    %get3A_53 = arith.constant 0 : index
    %get3A_54 = vector.load %arg9[%get3A_52, %get3A_53] : memref<64x1xf32, #tpu.memory_space<vmem>>, vector<64x1xf32>
    %add3A_55 = arith.addf %get3A_54, %broadcast_in_dim3A : vector<64x1xf32>
    %swap3A_56 = arith.constant 0 : index
    %swap3A_57 = arith.constant 0 : index
    %swap3A_58 = vector.load %arg9[%swap3A_56, %swap3A_57] : memref<64x1xf32, #tpu.memory_space<vmem>>, vector<64x1xf32>
    tpu.vector_store %arg9[%swap3A_56, %swap3A_57], %add3A_55 {strides = array<i32>} : memref<64x1xf32, #tpu.memory_space<vmem>>, vector<64x1xf32>,
    return
  }
  func.func @transform_0(%arg0: i32) -> (i32, i32, i32) {
    %c0_i32 = arith.constant 0 : i32
    %c0_i32_0 = arith.constant 0 : i32
    %c0_i32_1 = arith.constant 0 : i32
    return %c0_i32, %arg0, %c0_i32_0 : i32, i32, i32
  }
  func.func @transform_1(%arg0: i32) -> (i32, i32) {
    %c0_i32 = arith.constant 0 : i32
    %c0_i32_0 = arith.constant 0 : i32
    return %arg0, %c0_i32 : i32, i32
  }
  func.func @transform_2(%arg0: i32) -> (i32, i32) {
    %c0_i32 = arith.constant 0 : i32
    %c0_i32_0 = arith.constant 0 : i32
    return %arg0, %c0_i32 : i32, i32
  }
  func.func @transform_3(%arg0: i32) -> (i32, i32) {
    %c0_i32 = arith.constant 0 : i32
    %c0_i32_0 = arith.constant 0 : i32
    %c0_i32_1 = arith.constant 0 : i32
    return %c0_i32, %c0_i32_0 : i32, i32
  }
  func.func @transform_4(%arg0: i32) -> (i32, i32) {
    %c0_i32 = arith.constant 0 : i32
    %c0_i32_0 = arith.constant 0 : i32
    return %arg0, %c0_i32 : i32, i32
  }
  func.func @transform_5(%arg0: i32) -> (i32, i32) {
    %c0_i32 = arith.constant 0 : i32
    %c0_i32_0 = arith.constant 0 : i32
    return %arg0, %c0_i32 : i32, i32
  }
  func.func @transform_6(%arg0: i32) -> (i32, i32) {
    %c0_i32 = arith.constant 0 : i32
    %c0_i32_0 = arith.constant 0 : i32
    %c0_i32_1 = arith.constant 0 : i32
    return %c0_i32, %c0_i32_0 : i32, i32
  }
  func.func @transform_7(%arg0: i32) -> (i32, i32) {
    %c0_i32 = arith.constant 0 : i32
    %c0_i32_0 = arith.constant 0 : i32
    %c0_i32_1 = arith.constant 0 : i32
    return %c0_i32, %c0_i32_0 : i32, i32
  }
  func.func @transform_8(%arg0: i32) -> (i32, i32) {
    %c0_i32 = arith.constant 0 : i32
    %c0_i32_0 = arith.constant 0 : i32
    %c0_i32_1 = arith.constant 0 : i32
    return %c0_i32, %c0_i32_0 : i32, i32
  }
}

module attributes {stable_mosaic.version = 14 : i64} {
  func.func @_tc3_body(%arg0: i32, %arg1: memref<1000x128xf32, #tpu.memory_space<vmem>>, %arg2: memref<1000x1xi32, #tpu.memory_space<vmem>>, %arg3: memref<64x128xf32, #tpu.memory_space<vmem>>, %arg4: memref<64x128xf32, #tpu.memory_space<vmem>>, %arg5: memref<64x1xf32, #tpu.memory_space<vmem>>, %arg6: memref<1000x1xf32, #tpu.memory_space<vmem>>, %arg7: memref<128x128xf32, #tpu.memory_space<vmem>>, %arg8: memref<1000x128xf32, #tpu.memory_space<vmem>>) attributes {dimension_semantics = [#tpu.dimension_semantics<arbitrary>], iteration_bounds = array<i64: 10>, scalar_prefetch = 0 : i64, scratch_operands = 0 : i64, tpu.core_type = #tpu.core_type<tc>, window_params = [{transform_indices = @transform_0, window_bounds = array<i64: 1000, 128>}, {transform_indices = @transform_1, window_bounds = array<i64: 1000, 1>}, {pipeline_mode = #tpu.pipeline_mode<synchronous>, transform_indices = @transform_2, window_bounds = array<i64: 64, 128>}, {pipeline_mode = #tpu.pipeline_mode<synchronous>, transform_indices = @transform_3, window_bounds = array<i64: 64, 128>}, {pipeline_mode = #tpu.pipeline_mode<synchronous>, transform_indices = @transform_4, window_bounds = array<i64: 64, 1>}, {transform_indices = @transform_5, window_bounds = array<i64: 1000, 1>}, {pipeline_mode = #tpu.pipeline_mode<synchronous>, transform_indices = @transform_6, window_bounds = array<i64: 128, 128>}, {transform_indices = @transform_7, window_bounds = array<i64: 1000, 128>}]} {
    %get3A = arith.constant 0 : index
    %get3A_0 = arith.constant 0 : index
    %get3A_1 = vector.load %arg3[%get3A, %get3A_0] : memref<64x128xf32, #tpu.memory_space<vmem>>, vector<64x128xf32>
    %get3A_2 = arith.constant 0 : index
    %get3A_3 = arith.constant 0 : index
    %get3A_4 = vector.load %arg4[%get3A_2, %get3A_3] : memref<64x128xf32, #tpu.memory_space<vmem>>, vector<64x128xf32>
    %get3A_5 = arith.constant 0 : index
    %get3A_6 = arith.constant 0 : index
    %get3A_7 = vector.load %arg5[%get3A_5, %get3A_6] : memref<64x1xf32, #tpu.memory_space<vmem>>, vector<64x1xf32>
    %max3A = arith.constant 1.000000e+00 : f32
    %max3A_8 = vector.broadcast %max3A : f32 to vector<64x1xf32>
    %max3A_9 = arith.maximumf %get3A_7, %max3A_8 : vector<64x1xf32>
    %div3A = vector.broadcast %max3A_9 : vector<64x1xf32> to vector<64x128xf32>
    %div3A_10 = arith.divf %get3A_1, %div3A : vector<64x128xf32>
    %div3A_11 = vector.broadcast %max3A_9 : vector<64x1xf32> to vector<64x128xf32>
    %div3A_12 = arith.divf %get3A_4, %div3A_11 : vector<64x128xf32>
    %mul3A = arith.mulf %div3A_10, %div3A_10 : vector<64x128xf32>
    %sub3A = arith.subf %div3A_12, %mul3A : vector<64x128xf32>
    %add3A = arith.constant 9.99999974E-6 : f32
    %add3A_13 = vector.broadcast %add3A : f32 to vector<64x128xf32>
    %add3A_14 = arith.addf %sub3A, %add3A_13 : vector<64x128xf32>
    %rsqrt3A = math.rsqrt %add3A_14 : vector<64x128xf32>
    %get3A_15 = arith.constant 0 : index
    %get3A_16 = arith.constant 0 : index
    %get3A_17 = vector.load %arg2[%get3A_15, %get3A_16] : memref<1000x1xi32, #tpu.memory_space<vmem>>, vector<1000x1xi32>
    %iota3A = tpu.iota {dimensions = array<i32: 1>} : vector<1000x64xi32>
    %eq3A = vector.broadcast %get3A_17 : vector<1000x1xi32> to vector<1000x64xi32>
    %eq3A_18 = arith.cmpi eq, %eq3A, %iota3A : vector<1000x64xi32>
    %convert_element_type3A = arith.extui %eq3A_18 : vector<1000x64xi1> to vector<1000x64xi32>
    %convert_element_type3A_19 = arith.sitofp %convert_element_type3A : vector<1000x64xi32> to vector<1000x64xf32>
    %dot_general3A = arith.constant dense<0.000000e+00> : vector<1000x128xf32>
    %dot_general3A_20 = tpu.matmul %convert_element_type3A_19, %div3A_10, %dot_general3A {dimension_numbers = #tpu.dot_dimension_numbers<[1], [0], [0], [1], [0, 0, 1, 1], [], []>, precision = #tpu.contract_precision<fp32>, transpose_lhs_hint = false} : vector<1000x64xf32>, vector<64x128xf32>, vector<1000x128xf32> -> vector<1000x128xf32>
    %dot_general3A_21 = arith.constant dense<0.000000e+00> : vector<1000x128xf32>
    %dot_general3A_22 = tpu.matmul %convert_element_type3A_19, %rsqrt3A, %dot_general3A_21 {dimension_numbers = #tpu.dot_dimension_numbers<[1], [0], [0], [1], [0, 0, 1, 1], [], []>, precision = #tpu.contract_precision<fp32>, transpose_lhs_hint = false} : vector<1000x64xf32>, vector<64x128xf32>, vector<1000x128xf32> -> vector<1000x128xf32>
    %get3A_23 = arith.constant 0 : index
    %get3A_24 = arith.constant 0 : index
    %get3A_25 = vector.load %arg1[%get3A_23, %get3A_24] : memref<1000x128xf32, #tpu.memory_space<vmem>>, vector<1000x128xf32>
    %sub3A_26 = arith.subf %get3A_25, %dot_general3A_20 : vector<1000x128xf32>
    %mul3A_27 = arith.mulf %sub3A_26, %dot_general3A_22 : vector<1000x128xf32>
    %max3A_28 = arith.constant 0.000000e+00 : f32
    %max3A_29 = vector.broadcast %max3A_28 : f32 to vector<1000x128xf32>
    %max3A_30 = arith.maximumf %mul3A_27, %max3A_29 : vector<1000x128xf32>
    %get3A_31 = arith.constant 0 : index
    %get3A_32 = arith.constant 0 : index
    %get3A_33 = vector.load %arg7[%get3A_31, %get3A_32] : memref<128x128xf32, #tpu.memory_space<vmem>>, vector<128x128xf32>
    %dot_general3A_34 = arith.constant dense<0.000000e+00> : vector<1000x128xf32>
    %dot_general3A_35 = tpu.matmul %max3A_30, %get3A_33, %dot_general3A_34 {dimension_numbers = #tpu.dot_dimension_numbers<[1], [0], [0], [1], [0, 0, 1, 1], [], []>, transpose_lhs_hint = false} : vector<1000x128xf32>, vector<128x128xf32>, vector<1000x128xf32> -> vector<1000x128xf32>
    %get3A_36 = arith.constant 0 : index
    %get3A_37 = arith.constant 0 : index
    %get3A_38 = vector.load %arg6[%get3A_36, %get3A_37] : memref<1000x1xf32, #tpu.memory_space<vmem>>, vector<1000x1xf32>
    %mul3A_39 = vector.broadcast %get3A_38 : vector<1000x1xf32> to vector<1000x128xf32>
    %mul3A_40 = arith.mulf %dot_general3A_35, %mul3A_39 : vector<1000x128xf32>
    %swap3A = arith.constant 0 : index
    %swap3A_41 = arith.constant 0 : index
    %swap3A_42 = vector.load %arg8[%swap3A, %swap3A_41] : memref<1000x128xf32, #tpu.memory_space<vmem>>, vector<1000x128xf32>
    tpu.vector_store %arg8[%swap3A, %swap3A_41], %mul3A_40 {strides = array<i32>} : memref<1000x128xf32, #tpu.memory_space<vmem>>, vector<1000x128xf32>,
    return
  }
  func.func @transform_0(%arg0: i32) -> (i32, i32) {
    %c0_i32 = arith.constant 0 : i32
    %c0_i32_0 = arith.constant 0 : i32
    return %arg0, %c0_i32 : i32, i32
  }
  func.func @transform_1(%arg0: i32) -> (i32, i32) {
    %c0_i32 = arith.constant 0 : i32
    %c0_i32_0 = arith.constant 0 : i32
    return %arg0, %c0_i32 : i32, i32
  }
  func.func @transform_2(%arg0: i32) -> (i32, i32) {
    %c0_i32 = arith.constant 0 : i32
    %c0_i32_0 = arith.constant 0 : i32
    %c0_i32_1 = arith.constant 0 : i32
    return %c0_i32, %c0_i32_0 : i32, i32
  }
  func.func @transform_3(%arg0: i32) -> (i32, i32) {
    %c0_i32 = arith.constant 0 : i32
    %c0_i32_0 = arith.constant 0 : i32
    %c0_i32_1 = arith.constant 0 : i32
    return %c0_i32, %c0_i32_0 : i32, i32
  }
  func.func @transform_4(%arg0: i32) -> (i32, i32) {
    %c0_i32 = arith.constant 0 : i32
    %c0_i32_0 = arith.constant 0 : i32
    %c0_i32_1 = arith.constant 0 : i32
    return %c0_i32, %c0_i32_0 : i32, i32
  }
  func.func @transform_5(%arg0: i32) -> (i32, i32) {
    %c0_i32 = arith.constant 0 : i32
    %c0_i32_0 = arith.constant 0 : i32
    return %arg0, %c0_i32 : i32, i32
  }
  func.func @transform_6(%arg0: i32) -> (i32, i32) {
    %c0_i32 = arith.constant 0 : i32
    %c0_i32_0 = arith.constant 0 : i32
    %c0_i32_1 = arith.constant 0 : i32
    return %c0_i32, %c0_i32_0 : i32, i32
  }
  func.func @transform_7(%arg0: i32) -> (i32, i32) {
    %c0_i32 = arith.constant 0 : i32
    %c0_i32_0 = arith.constant 0 : i32
    return %arg0, %c0_i32 : i32, i32
  }
}

module attributes {stable_mosaic.version = 14 : i64} {
  func.func @_stats_body(%arg0: i32, %arg1: memref<2x1000x128xf32, #tpu.memory_space<vmem>>, %arg2: memref<1000x128xf32, #tpu.memory_space<vmem>>, %arg3: memref<1000x1xf32, #tpu.memory_space<vmem>>, %arg4: memref<1x128xf32, #tpu.memory_space<vmem>>, %arg5: memref<1000x1xi32, #tpu.memory_space<vmem>>, %arg6: memref<1000x128xf32, #tpu.memory_space<vmem>>, %arg7: memref<64x128xf32, #tpu.memory_space<vmem>>, %arg8: memref<64x128xf32, #tpu.memory_space<vmem>>, %arg9: memref<64x1xf32, #tpu.memory_space<vmem>>) attributes {dimension_semantics = [#tpu.dimension_semantics<arbitrary>], iteration_bounds = array<i64: 10>, scalar_prefetch = 0 : i64, scratch_operands = 0 : i64, tpu.core_type = #tpu.core_type<tc>, window_params = [{transform_indices = @transform_0, window_bounds = array<i64: 2, 1000, 128>}, {transform_indices = @transform_1, window_bounds = array<i64: 1000, 128>}, {transform_indices = @transform_2, window_bounds = array<i64: 1000, 1>}, {pipeline_mode = #tpu.pipeline_mode<synchronous>, transform_indices = @transform_3, window_bounds = array<i64: 1, 128>}, {transform_indices = @transform_4, window_bounds = array<i64: 1000, 1>}, {transform_indices = @transform_5, window_bounds = array<i64: 1000, 128>}, {pipeline_mode = #tpu.pipeline_mode<synchronous>, transform_indices = @transform_6, window_bounds = array<i64: 64, 128>}, {pipeline_mode = #tpu.pipeline_mode<synchronous>, transform_indices = @transform_7, window_bounds = array<i64: 64, 128>}, {pipeline_mode = #tpu.pipeline_mode<synchronous>, transform_indices = @transform_8, window_bounds = array<i64: 64, 1>}]} {
    %get3A = arith.constant 0 : index
    %get3A_0 = arith.constant 0 : index
    %get3A_1 = vector.load %arg3[%get3A, %get3A_0] : memref<1000x1xf32, #tpu.memory_space<vmem>>, vector<1000x1xf32>
    %get3A_2 = arith.constant 0 : index
    %get3A_3 = arith.constant 0 : index
    %get3A_4 = arith.constant 0 : index
    %get3A_5 = vector.load %arg1[%get3A_2, %get3A_3, %get3A_4] : memref<2x1000x128xf32, #tpu.memory_space<vmem>>, vector<1x1000x128xf32>
    %get3A_6 = vector.shape_cast %get3A_5 : vector<1x1000x128xf32> to vector<1000x128xf32>
    %get3A_7 = arith.constant 1 : index
    %get3A_8 = arith.constant 0 : index
    %get3A_9 = arith.constant 0 : index
    %get3A_10 = vector.load %arg1[%get3A_7, %get3A_8, %get3A_9] : memref<2x1000x128xf32, #tpu.memory_space<vmem>>, vector<1x1000x128xf32>
    %get3A_11 = vector.shape_cast %get3A_10 : vector<1x1000x128xf32> to vector<1000x128xf32>
    %add3A = arith.addf %get3A_6, %get3A_11 : vector<1000x128xf32>
    %get3A_12 = arith.constant 0 : index
    %get3A_13 = arith.constant 0 : index
    %get3A_14 = vector.load %arg2[%get3A_12, %get3A_13] : memref<1000x128xf32, #tpu.memory_space<vmem>>, vector<1000x128xf32>
    %add3A_15 = arith.addf %add3A, %get3A_14 : vector<1000x128xf32>
    %mul3A = vector.broadcast %get3A_1 : vector<1000x1xf32> to vector<1000x128xf32>
    %mul3A_16 = arith.mulf %mul3A, %add3A_15 : vector<1000x128xf32>
    %get3A_17 = arith.constant 0 : index
    %get3A_18 = arith.constant 0 : index
    %get3A_19 = vector.load %arg4[%get3A_17, %get3A_18] : memref<1x128xf32, #tpu.memory_space<vmem>>, vector<1x128xf32>
    %add3A_20 = vector.broadcast %get3A_19 : vector<1x128xf32> to vector<1000x128xf32>
    %add3A_21 = arith.addf %mul3A_16, %add3A_20 : vector<1000x128xf32>
    %swap3A = arith.constant 0 : index
    %swap3A_22 = arith.constant 0 : index
    %swap3A_23 = vector.load %arg6[%swap3A, %swap3A_22] : memref<1000x128xf32, #tpu.memory_space<vmem>>, vector<1000x128xf32>
    tpu.vector_store %arg6[%swap3A, %swap3A_22], %add3A_21 {strides = array<i32>} : memref<1000x128xf32, #tpu.memory_space<vmem>>, vector<1000x128xf32>,
    %get3A_24 = arith.constant 0 : index
    %get3A_25 = arith.constant 0 : index
    %get3A_26 = vector.load %arg5[%get3A_24, %get3A_25] : memref<1000x1xi32, #tpu.memory_space<vmem>>, vector<1000x1xi32>
    %iota3A = tpu.iota {dimensions = array<i32: 1>} : vector<1000x64xi32>
    %eq3A = vector.broadcast %get3A_26 : vector<1000x1xi32> to vector<1000x64xi32>
    %eq3A_27 = arith.cmpi eq, %eq3A, %iota3A : vector<1000x64xi32>
    %convert_element_type3A = arith.extui %eq3A_27 : vector<1000x64xi1> to vector<1000x64xi32>
    %convert_element_type3A_28 = arith.sitofp %convert_element_type3A : vector<1000x64xi32> to vector<1000x64xf32>
    %dot_general3A = arith.constant dense<0.000000e+00> : vector<64x128xf32>
    %dot_general3A_29 = tpu.matmul %convert_element_type3A_28, %add3A_21, %dot_general3A {dimension_numbers = #tpu.dot_dimension_numbers<[0], [0], [1], [1], [0, 1, 1, 1], [], []>, precision = #tpu.contract_precision<fp32>, transpose_lhs_hint = false} : vector<1000x64xf32>, vector<1000x128xf32>, vector<64x128xf32> -> vector<64x128xf32>
    %mul3A_30 = arith.mulf %add3A_21, %add3A_21 : vector<1000x128xf32>
    %dot_general3A_31 = arith.constant dense<0.000000e+00> : vector<64x128xf32>
    %dot_general3A_32 = tpu.matmul %convert_element_type3A_28, %mul3A_30, %dot_general3A_31 {dimension_numbers = #tpu.dot_dimension_numbers<[0], [0], [1], [1], [0, 1, 1, 1], [], []>, precision = #tpu.contract_precision<fp32>, transpose_lhs_hint = false} : vector<1000x64xf32>, vector<1000x128xf32>, vector<64x128xf32> -> vector<64x128xf32>
    %reduce_sum3A = arith.constant dense<0.000000e+00> : vector<64xf32>
    %reduce_sum3A_33 = vector.multi_reduction <add>, %convert_element_type3A_28, %reduce_sum3A [0] : vector<1000x64xf32> to vector<64xf32>
    %broadcast_in_dim3A = vector.shape_cast %reduce_sum3A_33 : vector<64xf32> to vector<64x1xf32>
    %eq3A_34 = arith.constant 0 : i32
    %eq3A_35 = arith.cmpi eq, %arg0, %eq3A_34 : i32
    %convert_element_type3A_36 = arith.extui %eq3A_35 : i1 to i32
    %cond3A = arith.constant 0 : i32
    %cond3A_37 = arith.cmpi ne, %convert_element_type3A_36, %cond3A : i32
    scf.if %cond3A_37 {
      %broadcast_in_dim3A_59 = arith.constant 0.000000e+00 : f32
      %broadcast_in_dim3A_60 = vector.broadcast %broadcast_in_dim3A_59 : f32 to vector<64x128xf32>
      %swap3A_61 = arith.constant 0 : index
      %swap3A_62 = arith.constant 0 : index
      %swap3A_63 = vector.load %arg7[%swap3A_61, %swap3A_62] : memref<64x128xf32, #tpu.memory_space<vmem>>, vector<64x128xf32>
      tpu.vector_store %arg7[%swap3A_61, %swap3A_62], %broadcast_in_dim3A_60 {strides = array<i32>} : memref<64x128xf32, #tpu.memory_space<vmem>>, vector<64x128xf32>,
      %broadcast_in_dim3A_64 = arith.constant 0.000000e+00 : f32
      %broadcast_in_dim3A_65 = vector.broadcast %broadcast_in_dim3A_64 : f32 to vector<64x128xf32>
      %swap3A_66 = arith.constant 0 : index
      %swap3A_67 = arith.constant 0 : index
      %swap3A_68 = vector.load %arg8[%swap3A_66, %swap3A_67] : memref<64x128xf32, #tpu.memory_space<vmem>>, vector<64x128xf32>
      tpu.vector_store %arg8[%swap3A_66, %swap3A_67], %broadcast_in_dim3A_65 {strides = array<i32>} : memref<64x128xf32, #tpu.memory_space<vmem>>, vector<64x128xf32>,
      %broadcast_in_dim3A_69 = arith.constant 0.000000e+00 : f32
      %broadcast_in_dim3A_70 = vector.broadcast %broadcast_in_dim3A_69 : f32 to vector<64x1xf32>
      %swap3A_71 = arith.constant 0 : index
      %swap3A_72 = arith.constant 0 : index
      %swap3A_73 = vector.load %arg9[%swap3A_71, %swap3A_72] : memref<64x1xf32, #tpu.memory_space<vmem>>, vector<64x1xf32>
      tpu.vector_store %arg9[%swap3A_71, %swap3A_72], %broadcast_in_dim3A_70 {strides = array<i32>} : memref<64x1xf32, #tpu.memory_space<vmem>>, vector<64x1xf32>,
    } else {
    }
    %get3A_38 = arith.constant 0 : index
    %get3A_39 = arith.constant 0 : index
    %get3A_40 = vector.load %arg7[%get3A_38, %get3A_39] : memref<64x128xf32, #tpu.memory_space<vmem>>, vector<64x128xf32>
    %add3A_41 = arith.addf %get3A_40, %dot_general3A_29 : vector<64x128xf32>
    %swap3A_42 = arith.constant 0 : index
    %swap3A_43 = arith.constant 0 : index
    %swap3A_44 = vector.load %arg7[%swap3A_42, %swap3A_43] : memref<64x128xf32, #tpu.memory_space<vmem>>, vector<64x128xf32>
    tpu.vector_store %arg7[%swap3A_42, %swap3A_43], %add3A_41 {strides = array<i32>} : memref<64x128xf32, #tpu.memory_space<vmem>>, vector<64x128xf32>,
    %get3A_45 = arith.constant 0 : index
    %get3A_46 = arith.constant 0 : index
    %get3A_47 = vector.load %arg8[%get3A_45, %get3A_46] : memref<64x128xf32, #tpu.memory_space<vmem>>, vector<64x128xf32>
    %add3A_48 = arith.addf %get3A_47, %dot_general3A_32 : vector<64x128xf32>
    %swap3A_49 = arith.constant 0 : index
    %swap3A_50 = arith.constant 0 : index
    %swap3A_51 = vector.load %arg8[%swap3A_49, %swap3A_50] : memref<64x128xf32, #tpu.memory_space<vmem>>, vector<64x128xf32>
    tpu.vector_store %arg8[%swap3A_49, %swap3A_50], %add3A_48 {strides = array<i32>} : memref<64x128xf32, #tpu.memory_space<vmem>>, vector<64x128xf32>,
    %get3A_52 = arith.constant 0 : index
    %get3A_53 = arith.constant 0 : index
    %get3A_54 = vector.load %arg9[%get3A_52, %get3A_53] : memref<64x1xf32, #tpu.memory_space<vmem>>, vector<64x1xf32>
    %add3A_55 = arith.addf %get3A_54, %broadcast_in_dim3A : vector<64x1xf32>
    %swap3A_56 = arith.constant 0 : index
    %swap3A_57 = arith.constant 0 : index
    %swap3A_58 = vector.load %arg9[%swap3A_56, %swap3A_57] : memref<64x1xf32, #tpu.memory_space<vmem>>, vector<64x1xf32>
    tpu.vector_store %arg9[%swap3A_56, %swap3A_57], %add3A_55 {strides = array<i32>} : memref<64x1xf32, #tpu.memory_space<vmem>>, vector<64x1xf32>,
    return
  }
  func.func @transform_0(%arg0: i32) -> (i32, i32, i32) {
    %c0_i32 = arith.constant 0 : i32
    %c0_i32_0 = arith.constant 0 : i32
    %c0_i32_1 = arith.constant 0 : i32
    return %c0_i32, %arg0, %c0_i32_0 : i32, i32, i32
  }
  func.func @transform_1(%arg0: i32) -> (i32, i32) {
    %c0_i32 = arith.constant 0 : i32
    %c0_i32_0 = arith.constant 0 : i32
    return %arg0, %c0_i32 : i32, i32
  }
  func.func @transform_2(%arg0: i32) -> (i32, i32) {
    %c0_i32 = arith.constant 0 : i32
    %c0_i32_0 = arith.constant 0 : i32
    return %arg0, %c0_i32 : i32, i32
  }
  func.func @transform_3(%arg0: i32) -> (i32, i32) {
    %c0_i32 = arith.constant 0 : i32
    %c0_i32_0 = arith.constant 0 : i32
    %c0_i32_1 = arith.constant 0 : i32
    return %c0_i32, %c0_i32_0 : i32, i32
  }
  func.func @transform_4(%arg0: i32) -> (i32, i32) {
    %c0_i32 = arith.constant 0 : i32
    %c0_i32_0 = arith.constant 0 : i32
    return %arg0, %c0_i32 : i32, i32
  }
  func.func @transform_5(%arg0: i32) -> (i32, i32) {
    %c0_i32 = arith.constant 0 : i32
    %c0_i32_0 = arith.constant 0 : i32
    return %arg0, %c0_i32 : i32, i32
  }
  func.func @transform_6(%arg0: i32) -> (i32, i32) {
    %c0_i32 = arith.constant 0 : i32
    %c0_i32_0 = arith.constant 0 : i32
    %c0_i32_1 = arith.constant 0 : i32
    return %c0_i32, %c0_i32_0 : i32, i32
  }
  func.func @transform_7(%arg0: i32) -> (i32, i32) {
    %c0_i32 = arith.constant 0 : i32
    %c0_i32_0 = arith.constant 0 : i32
    %c0_i32_1 = arith.constant 0 : i32
    return %c0_i32, %c0_i32_0 : i32, i32
  }
  func.func @transform_8(%arg0: i32) -> (i32, i32) {
    %c0_i32 = arith.constant 0 : i32
    %c0_i32_0 = arith.constant 0 : i32
    %c0_i32_1 = arith.constant 0 : i32
    return %c0_i32, %c0_i32_0 : i32, i32
  }
}

module attributes {stable_mosaic.version = 14 : i64} {
  func.func @_tc5_body(%arg0: i32, %arg1: memref<1000x128xf32, #tpu.memory_space<vmem>>, %arg2: memref<1000x1xi32, #tpu.memory_space<vmem>>, %arg3: memref<64x128xf32, #tpu.memory_space<vmem>>, %arg4: memref<64x128xf32, #tpu.memory_space<vmem>>, %arg5: memref<64x1xf32, #tpu.memory_space<vmem>>, %arg6: memref<128x2xf32, #tpu.memory_space<vmem>>, %arg7: memref<1x2xf32, #tpu.memory_space<vmem>>, %arg8: memref<64x2xf32, #tpu.memory_space<vmem>>, %arg9: memref<64x128xf32, #tpu.memory_space<vmem>>) attributes {dimension_semantics = [#tpu.dimension_semantics<arbitrary>], iteration_bounds = array<i64: 10>, scalar_prefetch = 0 : i64, scratch_operands = 1 : i64, tpu.core_type = #tpu.core_type<tc>, window_params = [{transform_indices = @transform_0, window_bounds = array<i64: 1000, 128>}, {transform_indices = @transform_1, window_bounds = array<i64: 1000, 1>}, {pipeline_mode = #tpu.pipeline_mode<synchronous>, transform_indices = @transform_2, window_bounds = array<i64: 64, 128>}, {pipeline_mode = #tpu.pipeline_mode<synchronous>, transform_indices = @transform_3, window_bounds = array<i64: 64, 128>}, {pipeline_mode = #tpu.pipeline_mode<synchronous>, transform_indices = @transform_4, window_bounds = array<i64: 64, 1>}, {pipeline_mode = #tpu.pipeline_mode<synchronous>, transform_indices = @transform_5, window_bounds = array<i64: 128, 2>}, {pipeline_mode = #tpu.pipeline_mode<synchronous>, transform_indices = @transform_6, window_bounds = array<i64: 1, 2>}, {pipeline_mode = #tpu.pipeline_mode<synchronous>, transform_indices = @transform_7, window_bounds = array<i64: 64, 2>}]} {
    %get3A = arith.constant 0 : index
    %get3A_0 = arith.constant 0 : index
    %get3A_1 = vector.load %arg3[%get3A, %get3A_0] : memref<64x128xf32, #tpu.memory_space<vmem>>, vector<64x128xf32>
    %get3A_2 = arith.constant 0 : index
    %get3A_3 = arith.constant 0 : index
    %get3A_4 = vector.load %arg4[%get3A_2, %get3A_3] : memref<64x128xf32, #tpu.memory_space<vmem>>, vector<64x128xf32>
    %get3A_5 = arith.constant 0 : index
    %get3A_6 = arith.constant 0 : index
    %get3A_7 = vector.load %arg5[%get3A_5, %get3A_6] : memref<64x1xf32, #tpu.memory_space<vmem>>, vector<64x1xf32>
    %max3A = arith.constant 1.000000e+00 : f32
    %max3A_8 = vector.broadcast %max3A : f32 to vector<64x1xf32>
    %max3A_9 = arith.maximumf %get3A_7, %max3A_8 : vector<64x1xf32>
    %div3A = vector.broadcast %max3A_9 : vector<64x1xf32> to vector<64x128xf32>
    %div3A_10 = arith.divf %get3A_1, %div3A : vector<64x128xf32>
    %div3A_11 = vector.broadcast %max3A_9 : vector<64x1xf32> to vector<64x128xf32>
    %div3A_12 = arith.divf %get3A_4, %div3A_11 : vector<64x128xf32>
    %mul3A = arith.mulf %div3A_10, %div3A_10 : vector<64x128xf32>
    %sub3A = arith.subf %div3A_12, %mul3A : vector<64x128xf32>
    %add3A = arith.constant 9.99999974E-6 : f32
    %add3A_13 = vector.broadcast %add3A : f32 to vector<64x128xf32>
    %add3A_14 = arith.addf %sub3A, %add3A_13 : vector<64x128xf32>
    %rsqrt3A = math.rsqrt %add3A_14 : vector<64x128xf32>
    %get3A_15 = arith.constant 0 : index
    %get3A_16 = arith.constant 0 : index
    %get3A_17 = vector.load %arg2[%get3A_15, %get3A_16] : memref<1000x1xi32, #tpu.memory_space<vmem>>, vector<1000x1xi32>
    %iota3A = tpu.iota {dimensions = array<i32: 1>} : vector<1000x64xi32>
    %eq3A = vector.broadcast %get3A_17 : vector<1000x1xi32> to vector<1000x64xi32>
    %eq3A_18 = arith.cmpi eq, %eq3A, %iota3A : vector<1000x64xi32>
    %convert_element_type3A = arith.extui %eq3A_18 : vector<1000x64xi1> to vector<1000x64xi32>
    %convert_element_type3A_19 = arith.sitofp %convert_element_type3A : vector<1000x64xi32> to vector<1000x64xf32>
    %dot_general3A = arith.constant dense<0.000000e+00> : vector<1000x128xf32>
    %dot_general3A_20 = tpu.matmul %convert_element_type3A_19, %div3A_10, %dot_general3A {dimension_numbers = #tpu.dot_dimension_numbers<[1], [0], [0], [1], [0, 0, 1, 1], [], []>, precision = #tpu.contract_precision<fp32>, transpose_lhs_hint = false} : vector<1000x64xf32>, vector<64x128xf32>, vector<1000x128xf32> -> vector<1000x128xf32>
    %dot_general3A_21 = arith.constant dense<0.000000e+00> : vector<1000x128xf32>
    %dot_general3A_22 = tpu.matmul %convert_element_type3A_19, %rsqrt3A, %dot_general3A_21 {dimension_numbers = #tpu.dot_dimension_numbers<[1], [0], [0], [1], [0, 0, 1, 1], [], []>, precision = #tpu.contract_precision<fp32>, transpose_lhs_hint = false} : vector<1000x64xf32>, vector<64x128xf32>, vector<1000x128xf32> -> vector<1000x128xf32>
    %get3A_23 = arith.constant 0 : index
    %get3A_24 = arith.constant 0 : index
    %get3A_25 = vector.load %arg1[%get3A_23, %get3A_24] : memref<1000x128xf32, #tpu.memory_space<vmem>>, vector<1000x128xf32>
    %sub3A_26 = arith.subf %get3A_25, %dot_general3A_20 : vector<1000x128xf32>
    %mul3A_27 = arith.mulf %sub3A_26, %dot_general3A_22 : vector<1000x128xf32>
    %max3A_28 = arith.constant 0.000000e+00 : f32
    %max3A_29 = vector.broadcast %max3A_28 : f32 to vector<1000x128xf32>
    %max3A_30 = arith.maximumf %mul3A_27, %max3A_29 : vector<1000x128xf32>
    %dot_general3A_31 = arith.constant dense<0.000000e+00> : vector<64x128xf32>
    %dot_general3A_32 = tpu.matmul %convert_element_type3A_19, %max3A_30, %dot_general3A_31 {dimension_numbers = #tpu.dot_dimension_numbers<[0], [0], [1], [1], [0, 1, 1, 1], [], []>, precision = #tpu.contract_precision<fp32>, transpose_lhs_hint = false} : vector<1000x64xf32>, vector<1000x128xf32>, vector<64x128xf32> -> vector<64x128xf32>
    %eq3A_33 = arith.constant 0 : i32
    %eq3A_34 = arith.cmpi eq, %arg0, %eq3A_33 : i32
    %convert_element_type3A_35 = arith.extui %eq3A_34 : i1 to i32
    %cond3A = arith.constant 0 : i32
    %cond3A_36 = arith.cmpi ne, %convert_element_type3A_35, %cond3A : i32
    scf.if %cond3A_36 {
      %broadcast_in_dim3A = arith.constant 0.000000e+00 : f32
      %broadcast_in_dim3A_48 = vector.broadcast %broadcast_in_dim3A : f32 to vector<64x128xf32>
      %swap3A_49 = arith.constant 0 : index
      %swap3A_50 = arith.constant 0 : index
      %swap3A_51 = vector.load %arg9[%swap3A_49, %swap3A_50] : memref<64x128xf32, #tpu.memory_space<vmem>>, vector<64x128xf32>
      tpu.vector_store %arg9[%swap3A_49, %swap3A_50], %broadcast_in_dim3A_48 {strides = array<i32>} : memref<64x128xf32, #tpu.memory_space<vmem>>, vector<64x128xf32>,
    } else {
    }
    %get3A_37 = arith.constant 0 : index
    %get3A_38 = arith.constant 0 : index
    %get3A_39 = vector.load %arg9[%get3A_37, %get3A_38] : memref<64x128xf32, #tpu.memory_space<vmem>>, vector<64x128xf32>
    %add3A_40 = arith.addf %get3A_39, %dot_general3A_32 : vector<64x128xf32>
    %swap3A = arith.constant 0 : index
    %swap3A_41 = arith.constant 0 : index
    %swap3A_42 = vector.load %arg9[%swap3A, %swap3A_41] : memref<64x128xf32, #tpu.memory_space<vmem>>, vector<64x128xf32>
    tpu.vector_store %arg9[%swap3A, %swap3A_41], %add3A_40 {strides = array<i32>} : memref<64x128xf32, #tpu.memory_space<vmem>>, vector<64x128xf32>,
    %eq3A_43 = arith.constant 9 : i32
    %eq3A_44 = arith.cmpi eq, %arg0, %eq3A_43 : i32
    %convert_element_type3A_45 = arith.extui %eq3A_44 : i1 to i32
    %cond3A_46 = arith.constant 0 : i32
    %cond3A_47 = arith.cmpi ne, %convert_element_type3A_45, %cond3A_46 : i32
    scf.if %cond3A_47 {
      %get3A_48 = arith.constant 0 : index
      %get3A_49 = arith.constant 0 : index
      %get3A_50 = vector.load %arg5[%get3A_48, %get3A_49] : memref<64x1xf32, #tpu.memory_space<vmem>>, vector<64x1xf32>
      %max3A_51 = arith.constant 1.000000e+00 : f32
      %max3A_52 = vector.broadcast %max3A_51 : f32 to vector<64x1xf32>
      %max3A_53 = arith.maximumf %get3A_50, %max3A_52 : vector<64x1xf32>
      %get3A_54 = arith.constant 0 : index
      %get3A_55 = arith.constant 0 : index
      %get3A_56 = vector.load %arg9[%get3A_54, %get3A_55] : memref<64x128xf32, #tpu.memory_space<vmem>>, vector<64x128xf32>
      %div3A_57 = vector.broadcast %max3A_53 : vector<64x1xf32> to vector<64x128xf32>
      %div3A_58 = arith.divf %get3A_56, %div3A_57 : vector<64x128xf32>
      %mul3A_59 = arith.constant 0.999994993 : f32
      %mul3A_60 = vector.broadcast %mul3A_59 : f32 to vector<64x128xf32>
      %mul3A_61 = arith.mulf %div3A_58, %mul3A_60 : vector<64x128xf32>
      %get3A_62 = arith.constant 0 : index
      %get3A_63 = arith.constant 0 : index
      %get3A_64 = vector.load %arg6[%get3A_62, %get3A_63] : memref<128x2xf32, #tpu.memory_space<vmem>>, vector<128x2xf32>
      %dot_general3A_65 = arith.constant dense<0.000000e+00> : vector<64x2xf32>
      %dot_general3A_66 = tpu.matmul %mul3A_61, %get3A_64, %dot_general3A_65 {dimension_numbers = #tpu.dot_dimension_numbers<[1], [0], [0], [1], [0, 0, 1, 1], [], []>, transpose_lhs_hint = false} : vector<64x128xf32>, vector<128x2xf32>, vector<64x2xf32> -> vector<64x2xf32>
      %get3A_67 = arith.constant 0 : index
      %get3A_68 = arith.constant 0 : index
      %get3A_69 = vector.load %arg7[%get3A_67, %get3A_68] : memref<1x2xf32, #tpu.memory_space<vmem>>, vector<1x2xf32>
      %add3A_70 = vector.broadcast %get3A_69 : vector<1x2xf32> to vector<64x2xf32>
      %add3A_71 = arith.addf %dot_general3A_66, %add3A_70 : vector<64x2xf32>
      %swap3A_72 = arith.constant 0 : index
      %swap3A_73 = arith.constant 0 : index
      %swap3A_74 = vector.load %arg8[%swap3A_72, %swap3A_73] : memref<64x2xf32, #tpu.memory_space<vmem>>, vector<64x2xf32>
      tpu.vector_store %arg8[%swap3A_72, %swap3A_73], %add3A_71 {strides = array<i32>} : memref<64x2xf32, #tpu.memory_space<vmem>>, vector<64x2xf32>,
    } else {
    }
    return
  }
  func.func @transform_0(%arg0: i32) -> (i32, i32) {
    %c0_i32 = arith.constant 0 : i32
    %c0_i32_0 = arith.constant 0 : i32
    return %arg0, %c0_i32 : i32, i32
  }
  func.func @transform_1(%arg0: i32) -> (i32, i32) {
    %c0_i32 = arith.constant 0 : i32
    %c0_i32_0 = arith.constant 0 : i32
    return %arg0, %c0_i32 : i32, i32
  }
  func.func @transform_2(%arg0: i32) -> (i32, i32) {
    %c0_i32 = arith.constant 0 : i32
    %c0_i32_0 = arith.constant 0 : i32
    %c0_i32_1 = arith.constant 0 : i32
    return %c0_i32, %c0_i32_0 : i32, i32
  }
  func.func @transform_3(%arg0: i32) -> (i32, i32) {
    %c0_i32 = arith.constant 0 : i32
    %c0_i32_0 = arith.constant 0 : i32
    %c0_i32_1 = arith.constant 0 : i32
    return %c0_i32, %c0_i32_0 : i32, i32
  }
  func.func @transform_4(%arg0: i32) -> (i32, i32) {
    %c0_i32 = arith.constant 0 : i32
    %c0_i32_0 = arith.constant 0 : i32
    %c0_i32_1 = arith.constant 0 : i32
    return %c0_i32, %c0_i32_0 : i32, i32
  }
  func.func @transform_5(%arg0: i32) -> (i32, i32) {
    %c0_i32 = arith.constant 0 : i32
    %c0_i32_0 = arith.constant 0 : i32
    %c0_i32_1 = arith.constant 0 : i32
    return %c0_i32, %c0_i32_0 : i32, i32
  }
  func.func @transform_6(%arg0: i32) -> (i32, i32) {
    %c0_i32 = arith.constant 0 : i32
    %c0_i32_0 = arith.constant 0 : i32
    %c0_i32_1 = arith.constant 0 : i32
    return %c0_i32, %c0_i32_0 : i32, i32
  }
  func.func @transform_7(%arg0: i32) -> (i32, i32) {
    %c0_i32 = arith.constant 0 : i32
    %c0_i32_0 = arith.constant 0 : i32
    %c0_i32_1 = arith.constant 0 : i32
    return %c0_i32, %c0_i32_0 : i32, i32
  }
}

</mosaic_0001>

<sc_bundles>
// kernel: kernel.11.cloned.1.call-start
scs
__scs_entry_jumppad:
0x0: {  	(pc) =	sbr.rel $0x88, $3  }
0x1: {  	(tag) =	ssettag $0x0;
	lr =	simm.s32 $0x1  }
0x2: {  	[smem:$0x3F98] =	sst lr;
	_ =	strace $0xD0000000  }
0x3: {  	_ = 	snop  }
0x4: {  	_ = 	snop  }
0x5: {  	_ = 	snop  }
0x6: {  	_ = 	snop  }
0x7: {  	_ = 	snop  }
__scs_overlays_trampoline_lowered:
0x8: {  	[smem:$0x3FA7] =	sst s0  }
0x9: {  	[smem:$0x3FA8] =	sst s1  }
0xa: {  	[smem:$0x3FA9] =	sst s2  }
0xb: {  	[smem:$0x3FAA] =	sst s3  }
0xc: {  	[smem:$0x3FAB] =	sst s4  }
0xd: {  	[smem:$0x3FAC] =	sst s5  }
0xe: {  	[smem:$0x3FAD] =	sst s6  }
0xf: {  	[smem:$0x3FAE] =	sst s7  }
0x10: {  	[smem:$0x3FAF] =	sst s8  }
0x11: {  	[smem:$0x3FB0] =	sst s9;
	s0 =	simm.s32 @!p0 $0x0  }
0x12: {  	s1 =	sld [smem:$0x3F96];
	s0 =	simm.s32 @p0 $0x1  }
0x13: {  	[smem:$0x3FB1] =	sst s0;
	s0 =	simm.s32 @!p1 $0x0  }
0x14: {  	s2 =	sld [smem:$0x3F95];
	s0 =	simm.s32 @p1 $0x1  }
0x15: {  	[smem:$0x3FB2] =	sst s0;
	s0 =	simm.s32 @!p2 $0x0  }
0x16: {  	s3 =	sld [smem:$0x3FDB];
	s0 =	simm.s32 @p2 $0x1  }
0x17: {  	s4 =	simm.s32 $0x1BF5;
	[smem:$0x3FB4] =	sst s0  }
0x18: {  	s0 =	sld [smem:$0x3F97];
	_ =	swait.ge [sflag:s4], $0x0  }
0x19: {  	s7 =	sld [smem:$0x3F98]  }
0x1a: {  	s8 =	sadd.s32 $0xFFFFE003, lr  }
0x1b: {  	s9 =	sadd.s32 $0xFFFFFEF7, lr;
	s5 =	simm.s32 $0xFFFFFFFF;
	p2 =	slt.u32 s8, $0xFFFFF086  }
0x1c: {  	p1 =	slt.u32 s9, $0xF7A;
	s5 =	simm.s32 @!p2 $0x0  }
0x1d: {  	s5 =	simm.s32 @p1 $0x1;
	p0 =	seq.s32 s7, s2  }
0x1e: {  	s7 =	smul.u32 @!p0 $0xF7A, s2;
	p2 =	seq.s32 @!p0 s5, $0x0  }
0x1f: {  	s9 =	smul.u32 $0xF7A, s1;
	s8 =	simm.s32 @!p0 $0x1BF5;
	p2 =	por !p2, p0  }
0x20: {  	[sflag:s8] =	ssyncset.s32 @!p0 $0xFFFFF086;
	s6 =	sadd.s32 @!p0 s3, s7;
	s7 =	simm.s32 @!p0 $0x108  }
0x21: {  	s3 =	sadd.s32 s3, s9;
	s6 =	sadd.s32 @!p0 $0x88, s6;
	s7 =	simm.s32 @p2 $0x1082  }
0x22: {  	[simem:s7], [sflag:s8] =	dma.local @!p0 [hbm:s6], $0xF7A  }
0x23: {  	s9 =	sor.u32 $0xD0000000, s2;
	s6 =	simm.s32 $0x108;
	_ =	swait.ge @!p0 [sflag:s8], $0x0  }
0x24: {  	s3 =	sadd.s32 $0x88, s3;
	s6 =	simm.s32 @!p1 $0x1082;
	[sflag:s4] =	ssyncset.s32 $0xFFFFF086  }
0x25: {  	[simem:s6], [sflag:s4] =	dma.local [hbm:s3], $0xF7A  }
0x26: {  	[smem:$0x3F98] =	sst s1;
	(tag) =	ssettag s2;
	_ =	strace s9  }
0x27: {  	s1 =	sld [smem:$0x3FA8]  }
0x28: {  	s2 =	sld [smem:$0x3FA9]  }
0x29: {  	s4 =	sld [smem:$0x3FAB]  }
0x2a: {  	p0 =	seq.s32 s5, $0x0;
	s5 =	sld [smem:$0x3FAC]  }
0x2b: {  	s6 =	sld [smem:$0x3FAD]  }
0x2c: {  	s7 =	sld [smem:$0x3FAE]  }
0x2d: {  	s3 =	simm.s32 $0x108;
	s8 =	sld [smem:$0x3FAF]  }
0x2e: {  	s3 =	simm.s32 @!p0 $0x1082;
	s9 =	sld [smem:$0x3FB0]  }
0x2f: {  	lr =	sadd.s32 s0, s3;
	s0 =	sld [smem:$0x3FA7]  }
0x30: {  	s3 =	sld [smem:$0x3FAA]  }
0x31: {  	[smem:$0x3FB3] =	sst s10  }
0x32: {  	s10 =	sld [smem:$0x3FB1];
	_ =	sdelay $0x3  }
0x33: {  	p0 =	seq.s32 s10, $0x1;
	s10 =	sld [smem:$0x3FB3];
	_ =	sdelay $0x3  }
0x34: {  	[smem:$0x3FB3] =	sst s10  }
0x35: {  	s10 =	sld [smem:$0x3FB2];
	_ =	sdelay $0x3  }
0x36: {  	p1 =	seq.s32 s10, $0x1;
	s10 =	sld [smem:$0x3FB3];
	_ =	sdelay $0x3  }
0x37: {  	[smem:$0x3FB3] =	sst s10  }
0x38: {  	s10 =	sld [smem:$0x3FB4]  }
0x39: {  	_ = 	snop;
	(pc) =	sbr.ind lr, $3  }
0x3a: {  	_ = 	snop  }
0x3b: {  	_ = 	snop  }
0x3c: {  	p2 =	seq.s32 s10, $0x1;
	s10 =	sld [smem:$0x3FB3]  }
0x3d: {  	_ =	shalt  }
0x3e: {  	_ =	shalt  }
0x3f: {  	_ =	shalt  }
0x40: {  	_ =	shalt  }
0x41: {  	_ =	shalt  }
0x42: {  	_ =	shalt  }
0x43: {  	_ =	shalt  }
0x44: {  	_ =	shalt  }
0x45: {  	_ =	shalt  }
0x46: {  	_ =	shalt  }
0x47: {  	_ =	shalt  }
0x48: {  	_ =	shalt  }
0x49: {  	_ =	shalt  }
0x4a: {  	_ =	shalt  }
0x4b: {  	_ =	shalt  }
0x4c: {  	_ =	shalt  }
0x4d: {  	_ =	shalt  }
0x4e: {  	_ =	shalt  }
0x4f: {  	_ =	shalt  }
0x50: {  	_ =	shalt  }
0x51: {  	_ =	shalt  }
0x52: {  	_ =	shalt  }
0x53: {  	_ =	shalt  }
0x54: {  	_ =	shalt  }
0x55: {  	_ =	shalt  }
0x56: {  	_ =	shalt  }
0x57: {  	_ =	shalt  }
0x58: {  	_ =	shalt  }
0x59: {  	_ =	shalt  }
0x5a: {  	_ =	shalt  }
0x5b: {  	_ =	shalt  }
0x5c: {  	_ =	shalt  }
0x5d: {  	_ =	shalt  }
0x5e: {  	_ =	shalt  }
0x5f: {  	_ =	shalt  }
0x60: {  	_ =	shalt  }
0x61: {  	_ =	shalt  }
0x62: {  	_ =	shalt  }
0x63: {  	_ =	shalt  }
0x64: {  	_ =	shalt  }
0x65: {  	_ =	shalt  }
0x66: {  	_ =	shalt  }
0x67: {  	_ =	shalt  }
0x68: {  	_ =	shalt  }
0x69: {  	_ =	shalt  }
0x6a: {  	_ =	shalt  }
0x6b: {  	_ =	shalt  }
0x6c: {  	_ =	shalt  }
0x6d: {  	_ =	shalt  }
0x6e: {  	_ =	shalt  }
0x6f: {  	_ =	shalt  }
0x70: {  	_ =	shalt  }
0x71: {  	_ =	shalt  }
0x72: {  	_ =	shalt  }
0x73: {  	_ =	shalt  }
0x74: {  	_ =	shalt  }
0x75: {  	_ =	shalt  }
0x76: {  	_ =	shalt  }
0x77: {  	_ =	shalt  }
0x78: {  	_ =	shalt  }
0x79: {  	_ =	shalt  }
0x7a: {  	_ =	shalt  }
0x7b: {  	_ =	shalt  }
0x7c: {  	_ =	shalt  }
0x7d: {  	_ =	shalt  }
0x7e: {  	_ =	shalt  }
0x7f: {  	_ =	shalt  }
0x80: {  	_ =	shalt  }
0x81: {  	_ =	shalt  }
0x82: {  	_ =	shalt  }
0x83: {  	_ =	shalt  }
0x84: {  	_ =	shalt  }
0x85: {  	_ =	shalt  }
0x86: {  	_ =	shalt  }
0x87: {  	_ =	shalt  }
.Lfunc_end0:
.L_simem_size_0:
called_computation_lowered:
.L_overlay_start_0:
0x88: {  	s2 =	sld [smem:$0x3FD9]  }
0x89: {  	s3 =	sld [smem:$0x3FFE];
	_ =	sdelay $0x1  }
0x8a: {  	s1 =	srdreg.scid  }
0x8b: {  	s0 =	sand.u32 $0x1, s1  }
0x8c: {  	s16 =	sshll.u32 s0, $0xA;
	s2 =	sadd.s32 s3, s2  }
0x8d: {  	s2 =	sadd.s32 s2, s16  }
0x8e: {  	[smem:$0x3FBF] =	sst s2  }
0x8f: {  	_ = 	snop  }
0x90: {  	(tm) =	ssettm $0x1  }
0x91: {  	s17 =	sld [smem:$0x3FFB];
	_ =	sdelay $0x3  }
0x92: {  	_ =	strace s17  }
0x93: {  	s2 =	sld [smem:$0x3FFC];
	_ =	sdelay $0x3  }
0x94: {  	_ =	strace s2  }
0x95: {  	s2 =	sld [smem:$0x3FFD];
	_ =	sdelay $0x3  }
0x96: {  	_ =	strace s2  }
0x97: {  	_ =	strace $0x8FFFFFFF  }
0x98: {  	s18 =	sld [smem:$0x3FDB];
	_ =	sdelay $0x1  }
0x99: {  	s19 =	simm.s32 $_scs_section_size  }
0x9a: {  	s4 =	simm.s32 $_size__tile_overlayer_lowered;
	s5 =	simm.s32 $_tile_overlayer_lowered  }
0x9b: {  	s22 =	simm.s32 $0x1BFF;
	s21 =	sshll.u32 s5, $0x1;
	s2 =	sadd.s32 s19, s18  }
0x9c: {  	s6 =	simm.s32 $0x0;
	s20 =	sshll.u32 s4, $0x1;
	s4 =	sadd.s32 s21, s2  }
0x9d: {  	[timem:s6], [sflag:s22] =	dma.local [hbm:s4], s20  }
0x9e: {  	_ =	swait.ge [sflag:s22], s20  }
0x9f: {  	s3 =	ssub.s32 $0x0, s20;
	[sflag:s22] =	ssyncset.done $0x0  }
0xa0: {  	[sflag:s22] =	ssyncadd.s32 s3;
	_ =	sdelay $0x1  }
0xa1: {  	s23 =	simm.s32 $0x1B8B  }
0xa2: {  	_ =	swait.ge [sflag:s23], $0x1  }
0xa3: {  	[sflag:s23] =	ssyncset.done $0x0  }
0xa4: {  	s25 =	simm.s32 $0x1B8E;
	s24 =	sld [smem:$0x3FFE];
	[sflag:s23] =	ssyncadd.s32 $0xFFFFFFFF  }
0xa5: {  	s26 =	simm.s32 $execute0_lowered;
	[smem:$0x3FD2] =	sst s25  }
0xa6: {  	s4 =	sshll.u32 s26, $0x1;
	_ =	strace $0x80000046;
	[dreg:$0x1] =	wrdreg $0xFFFFFFFF  }
0xa7: {  	s28 =	simm.s32 $_size_execute0_lowered;
	s2 =	sadd.s32 s2, s4;
	[dreg:$0x0] =	wrdreg $0x0  }
0xa8: {  	s4 =	sshll.u32 s28, $0x1;
	[dreg:$0x2] =	wrdreg s2  }
0xa9: {  	[dreg:$0x3] =	wrdreg s4  }
0xaa: {  	[dreg:$0x4] =	wrdreg $0xC0  }
0xab: {  	_ =	task [dreg:s6], $0x5FFFF  }
0xac: {  	[dreg:$0x1] =	wrdreg $0xFFFFFFFF  }
0xad: {  	[dreg:$0x0] =	wrdreg $0x60  }
0xae: {  	[dreg:$0x2] =	wrdreg s24  }
0xaf: {  	[dreg:$0x3] =	wrdreg $0x9  }
0xb0: {  	_ =	task.clear_ibuf [dreg:s6], $0x4FFFF;
	_ =	strace $0x90000046  }
0xb1: {  	s29 =	simm.s32 $0x9;
	_ =	strace $0x80000048  }
0xb2: {  	_ =	swait.ge [sflag:s29], $0x1  }
0xb3: {  	[sflag:s29] =	ssyncadd.s32 $0xFFFFFFFF  }
0xb4: {  	_ =	strace $0x90000048  }
0xb5: {  	_ =	sfence  }
0xb6: {  	s30 =	sld [smem:$0x0];
	_ =	sdelay $0x2  }
0xb7: {  	s31 =	sshll.u32 s1, $0xD;
	s1 =	sshrl.u32 s1, $0x2  }
0xb8: {  	s3 =	sand.u32 $0x4000, s31;
	s1 =	sadd.s32 s1, s30  }
0xb9: {  	s0 =	sor.u32 s3, s0;
	s1 =	sshll.u32 s1, $0x11  }
0xba: {  	s0 =	sor.u32 s1, s0  }
0xbb: {  	s0 =	sadd.s32 $0x8F2B, s0  }
0xbc: {  	[sflag:s0] =	ssyncadd.remote.s32 $0x1  }
0xbd: {  	_ =	sfence.sel $0xFFFF  }
0xbe: {  	[dreg:$0x0] =	wrdreg $0xFFFFFFFF;
	(pc) =	sbr.abs _section_cstart, $3  }
0xbf: {  	[dreg:$0x1] =	wrdreg $0xFFFFFFFF  }
0xc0: {  	_ =	task.clear_ibuf [dreg:s6], $0x2FFFF;
	_ =	strace $0x9FFFFFFF  }
0xc1: {  	(tm) =	ssettm $0x7FFFFFFF  }
tec
execute0_lowered:
.L_overlay_start_1:
0x0: {  	(tag) =	ssettag $0x1  }
0x1: {  	s0 =	srdreg.scid  }
0x2: {  	s3 =	sand.u32 $0x1, s0  }
0x3: {  	s0 =	stileid.u32;
	s1 =	sshll.u32 s3, $0x4  }
0x4: {  	s4 =	rddreg [dreg:$0x0];
	s5 =	sor.u32 s0, s1  }
0x5: {  	s2 =	simm.s32 $0x0;
	s8 =	simm.s32 $0x0;
	s6 =	smul.u32 $0x2800, s5  }
0x6: {  	[smem:$0x7FF] =	sst s2;
	s3 =	ssub.s32 $0x2, s3;
	s5 =	smul.u32 $0x4F0, s5  }
0x7: {  	s1 =	rddreg [dreg:$0x1];
	_ =	strace $0x80000047;
	s7 =	sshrl.u32 s3, $0x1  }
0x8: {  	s7 =	ssub.s32 s3, s7;
	s6 =	sshrl.u32 s6, $0x3;
	s5 =	sadd.s32 s5, s4  }
0x9: {  	s31 =	sadd.s32 s4, s6;
	s4 =	sadd.s32 $0x16A00, s5;
	s5 =	smax.u32 s7, $0x1  }
0xa: {  	v0 =	vimm.f32 $0.0e+00;
	v1 =	vimm.f32 $1.000000000e+00;
	s6 =	simm.s32 $0x1;
	s7 =	simm.s32 $0x2800;
	s3 =	sadd.s32 $0xCA00, s31  }
.LBB2_1:
0xb: {  	[tilespmem:s2], [sflag:$0x1] =	stream.linear.gather [hbm4b:s3+s2], $0x2800, $0x38;
	[tilespmem:$0x4F80] =	vst v63  }
0xc: {  	_ =	swait.ge [sflag:s6], $0x2800  }
0xd: {  	[sflag:s6] =	ssyncset.done $0x0  }
0xe: {  	s9 =	simm.s32 $0x0;
	[sflag:s6] =	ssyncadd.s32 $0xFFFFD800  }
.LBB2_2:
0xf: {  	p0 =	sne.s32 s9, $0x9DC0  }
.Ltmp0:
0x10: {  	_ = 	snop;
	(pc) =	sbr.rel @p0 .LBB2_2-.Ltmp0, $3  }
0x11: {  	_ =	sdelay $0x1  }
0x12: {  	s10 =	sshra.s32 s9, $0x2  }
0x13: {  	s9 =	sadd.s32 $0x40, s9;
	[tilespmem:s10+$0x2800] =	vst v0  }
0x14: {  	s9 =	simm.s32 $0x0  }
.LBB2_4:
0x15: {  	s10 =	sshra.s32 s9, $0x2  }
0x16: {  	v2 =	vld [tilespmem:s10+$0x0];
	_ =	sdelay $0x7  }
0x17: {  	[tilespmem:v2+s7+$0x0] =	vst.idx.add.f32.msk $0xffff, v1  }
0x18: {  	v2 =	vld [tilespmem:s10+$0x10];
	_ =	sdelay $0x7  }
0x19: {  	[tilespmem:v2+s7+$0x0] =	vst.idx.add.f32.msk $0xffff, v1  }
0x1a: {  	v2 =	vld [tilespmem:s10+$0x20];
	_ =	sdelay $0x7  }
0x1b: {  	[tilespmem:v2+s7+$0x0] =	vst.idx.add.f32.msk $0xffff, v1  }
0x1c: {  	v2 =	vld [tilespmem:s10+$0x30];
	_ =	sdelay $0x7  }
0x1d: {  	[tilespmem:v2+s7+$0x0] =	vst.idx.add.f32.msk $0xffff, v1  }
0x1e: {  	v2 =	vld [tilespmem:s10+$0x40];
	_ =	sdelay $0x7  }
0x1f: {  	[tilespmem:v2+s7+$0x0] =	vst.idx.add.f32.msk $0xffff, v1  }
0x20: {  	v2 =	vld [tilespmem:s10+$0x50];
	_ =	sdelay $0x7  }
0x21: {  	[tilespmem:v2+s7+$0x0] =	vst.idx.add.f32.msk $0xffff, v1  }
0x22: {  	v2 =	vld [tilespmem:s10+$0x60];
	_ =	sdelay $0x7  }
0x23: {  	[tilespmem:v2+s7+$0x0] =	vst.idx.add.f32.msk $0xffff, v1  }
0x24: {  	v2 =	vld [tilespmem:s10+$0x70];
	_ =	sdelay $0x2  }
0x25: {  	p0 =	sne.s32 s9, $0x9E00  }
.Ltmp1:
0x26: {  	_ = 	snop;
	(pc) =	sbr.rel @p0 .LBB2_4-.Ltmp1, $2  }
0x27: {  	_ =	sdelay $0x2  }
0x28: {  	s9 =	sadd.s32 $0x200, s9;
	[tilespmem:v2+s7+$0x0] =	vst.idx.add.f32.msk $0xffff, v1  }
0x29: {  	s8 =	sadd.s32 $0x1, s8  }
0x2a: {  	p0 =	sne.s32 s8, s5  }
.Ltmp2:
0x2b: {  	_ = 	snop;
	(pc) =	sbr.rel @p0 .LBB2_1-.Ltmp2, $4  }
0x2c: {  	[hbm4b:s4+s2] =	stream.linear.scatter [tilespmem:s7], [sflag:$0x1], $0x2780, $0x38;
	[tilespmem:$0x4F80] =	vst v63  }
0x2d: {  	_ =	swait.ge [sflag:s6], $0x2780  }
0x2e: {  	[sflag:s6] =	ssyncset.done $0x0  }
0x2f: {  	[sflag:s6] =	ssyncadd.s32 $0xFFFFD880  }
0x30: {  	_ =	sfence.sel $0x180000  }
0x31: {  	[bflag:$0x0] =	sbarrier.arrive $0xFFFF  }
0x32: {  	p0 =	sne.s32 s0, $0x0;
	_ =	strace $0x90000047  }
0x33: {  	s0 =	sadd.s32 @!p0 $0x100000, s1;
	[bflag:$0x2] =	sbarrier.arrive $0xFFFF  }
0x34: {  	[sflag:s0] =	ssyncadd.tile.s32 @!p0 $0x1;
	_ =	shalt  }
.Lfunc_end2:
_tile_overlayer_lowered:
.L_overlay_start_2:
0x35: {  	(tag) =	ssettag $0x2  }
0x36: {  	s0 =	rddreg [dreg:$0x0];
	s2 =	stileid.u32  }
0x37: {  	s1 =	rddreg [dreg:$0x1];
	p0 =	sne.s32 s2, $0x0  }
0x38: {  	s3 =	rddreg [dreg:$0x2];
	[bflag:$0x3] =	sbarrier.arrive $0xFFFF;
	s2 =	simm.s32 @!p0 $0x1C01  }
0x39: {  	[timem:s3], [sflag:s2] =	dma.local @!p0 [hbm:s0], s1  }
0x3a: {  	s0 =	simm.s32 @!p0 $0x1  }
0x3b: {  	_ =	swait.ge @!p0 [sflag:s0], s1  }
0x3c: {  	s1 =	ssub.s32 @!p0 $0x0, s1;
	[sflag:s0] =	ssyncset.done @!p0 $0x0  }
0x3d: {  	[sflag:s0] =	ssyncadd.s32 @!p0 s1  }
0x3e: {  	[bflag:$0x3] =	sbarrier.arrive $0xFFFF  }
0x3f: {  	_ =	shalt  }

// kernel: kernel.14.cloned.1.call-start
scs
__scs_entry_jumppad:
0x0: {  	(pc) =	sbr.rel $0x88, $3  }
0x1: {  	(tag) =	ssettag $0x0;
	lr =	simm.s32 $0x1  }
0x2: {  	[smem:$0x3F98] =	sst lr;
	_ =	strace $0xD0000000  }
0x3: {  	_ = 	snop  }
0x4: {  	_ = 	snop  }
0x5: {  	_ = 	snop  }
0x6: {  	_ = 	snop  }
0x7: {  	_ = 	snop  }
__scs_overlays_trampoline_lowered:
0x8: {  	[smem:$0x3FA7] =	sst s0  }
0x9: {  	[smem:$0x3FA8] =	sst s1  }
0xa: {  	[smem:$0x3FA9] =	sst s2  }
0xb: {  	[smem:$0x3FAA] =	sst s3  }
0xc: {  	[smem:$0x3FAB] =	sst s4  }
0xd: {  	[smem:$0x3FAC] =	sst s5  }
0xe: {  	[smem:$0x3FAD] =	sst s6  }
0xf: {  	[smem:$0x3FAE] =	sst s7  }
0x10: {  	[smem:$0x3FAF] =	sst s8  }
0x11: {  	[smem:$0x3FB0] =	sst s9;
	s0 =	simm.s32 @!p0 $0x0  }
0x12: {  	s1 =	sld [smem:$0x3F96];
	s0 =	simm.s32 @p0 $0x1  }
0x13: {  	[smem:$0x3FB1] =	sst s0;
	s0 =	simm.s32 @!p1 $0x0  }
0x14: {  	s2 =	sld [smem:$0x3F95];
	s0 =	simm.s32 @p1 $0x1  }
0x15: {  	[smem:$0x3FB2] =	sst s0;
	s0 =	simm.s32 @!p2 $0x0  }
0x16: {  	s3 =	sld [smem:$0x3FDB];
	s0 =	simm.s32 @p2 $0x1  }
0x17: {  	s4 =	simm.s32 $0x1BF5;
	[smem:$0x3FB4] =	sst s0  }
0x18: {  	s0 =	sld [smem:$0x3F97];
	_ =	swait.ge [sflag:s4], $0x0  }
0x19: {  	s7 =	sld [smem:$0x3F98]  }
0x1a: {  	s8 =	sadd.s32 $0xFFFFE003, lr  }
0x1b: {  	s9 =	sadd.s32 $0xFFFFFEF7, lr;
	s5 =	simm.s32 $0xFFFFFFFF;
	p2 =	slt.u32 s8, $0xFFFFF086  }
0x1c: {  	p1 =	slt.u32 s9, $0xF7A;
	s5 =	simm.s32 @!p2 $0x0  }
0x1d: {  	s5 =	simm.s32 @p1 $0x1;
	p0 =	seq.s32 s7, s2  }
0x1e: {  	s7 =	smul.u32 @!p0 $0xF7A, s2;
	p2 =	seq.s32 @!p0 s5, $0x0  }
0x1f: {  	s9 =	smul.u32 $0xF7A, s1;
	s8 =	simm.s32 @!p0 $0x1BF5;
	p2 =	por !p2, p0  }
0x20: {  	[sflag:s8] =	ssyncset.s32 @!p0 $0xFFFFF086;
	s6 =	sadd.s32 @!p0 s3, s7;
	s7 =	simm.s32 @!p0 $0x108  }
0x21: {  	s3 =	sadd.s32 s3, s9;
	s6 =	sadd.s32 @!p0 $0x88, s6;
	s7 =	simm.s32 @p2 $0x1082  }
0x22: {  	[simem:s7], [sflag:s8] =	dma.local @!p0 [hbm:s6], $0xF7A  }
0x23: {  	s9 =	sor.u32 $0xD0000000, s2;
	s6 =	simm.s32 $0x108;
	_ =	swait.ge @!p0 [sflag:s8], $0x0  }
0x24: {  	s3 =	sadd.s32 $0x88, s3;
	s6 =	simm.s32 @!p1 $0x1082;
	[sflag:s4] =	ssyncset.s32 $0xFFFFF086  }
0x25: {  	[simem:s6], [sflag:s4] =	dma.local [hbm:s3], $0xF7A  }
0x26: {  	[smem:$0x3F98] =	sst s1;
	(tag) =	ssettag s2;
	_ =	strace s9  }
0x27: {  	s1 =	sld [smem:$0x3FA8]  }
0x28: {  	s2 =	sld [smem:$0x3FA9]  }
0x29: {  	s4 =	sld [smem:$0x3FAB]  }
0x2a: {  	p0 =	seq.s32 s5, $0x0;
	s5 =	sld [smem:$0x3FAC]  }
0x2b: {  	s6 =	sld [smem:$0x3FAD]  }
0x2c: {  	s7 =	sld [smem:$0x3FAE]  }
0x2d: {  	s3 =	simm.s32 $0x108;
	s8 =	sld [smem:$0x3FAF]  }
0x2e: {  	s3 =	simm.s32 @!p0 $0x1082;
	s9 =	sld [smem:$0x3FB0]  }
0x2f: {  	lr =	sadd.s32 s0, s3;
	s0 =	sld [smem:$0x3FA7]  }
0x30: {  	s3 =	sld [smem:$0x3FAA]  }
0x31: {  	[smem:$0x3FB3] =	sst s10  }
0x32: {  	s10 =	sld [smem:$0x3FB1];
	_ =	sdelay $0x3  }
0x33: {  	p0 =	seq.s32 s10, $0x1;
	s10 =	sld [smem:$0x3FB3];
	_ =	sdelay $0x3  }
0x34: {  	[smem:$0x3FB3] =	sst s10  }
0x35: {  	s10 =	sld [smem:$0x3FB2];
	_ =	sdelay $0x3  }
0x36: {  	p1 =	seq.s32 s10, $0x1;
	s10 =	sld [smem:$0x3FB3];
	_ =	sdelay $0x3  }
0x37: {  	[smem:$0x3FB3] =	sst s10  }
0x38: {  	s10 =	sld [smem:$0x3FB4]  }
0x39: {  	_ = 	snop;
	(pc) =	sbr.ind lr, $3  }
0x3a: {  	_ = 	snop  }
0x3b: {  	_ = 	snop  }
0x3c: {  	p2 =	seq.s32 s10, $0x1;
	s10 =	sld [smem:$0x3FB3]  }
0x3d: {  	_ =	shalt  }
0x3e: {  	_ =	shalt  }
0x3f: {  	_ =	shalt  }
0x40: {  	_ =	shalt  }
0x41: {  	_ =	shalt  }
0x42: {  	_ =	shalt  }
0x43: {  	_ =	shalt  }
0x44: {  	_ =	shalt  }
0x45: {  	_ =	shalt  }
0x46: {  	_ =	shalt  }
0x47: {  	_ =	shalt  }
0x48: {  	_ =	shalt  }
0x49: {  	_ =	shalt  }
0x4a: {  	_ =	shalt  }
0x4b: {  	_ =	shalt  }
0x4c: {  	_ =	shalt  }
0x4d: {  	_ =	shalt  }
0x4e: {  	_ =	shalt  }
0x4f: {  	_ =	shalt  }
0x50: {  	_ =	shalt  }
0x51: {  	_ =	shalt  }
0x52: {  	_ =	shalt  }
0x53: {  	_ =	shalt  }
0x54: {  	_ =	shalt  }
0x55: {  	_ =	shalt  }
0x56: {  	_ =	shalt  }
0x57: {  	_ =	shalt  }
0x58: {  	_ =	shalt  }
0x59: {  	_ =	shalt  }
0x5a: {  	_ =	shalt  }
0x5b: {  	_ =	shalt  }
0x5c: {  	_ =	shalt  }
0x5d: {  	_ =	shalt  }
0x5e: {  	_ =	shalt  }
0x5f: {  	_ =	shalt  }
0x60: {  	_ =	shalt  }
0x61: {  	_ =	shalt  }
0x62: {  	_ =	shalt  }
0x63: {  	_ =	shalt  }
0x64: {  	_ =	shalt  }
0x65: {  	_ =	shalt  }
0x66: {  	_ =	shalt  }
0x67: {  	_ =	shalt  }
0x68: {  	_ =	shalt  }
0x69: {  	_ =	shalt  }
0x6a: {  	_ =	shalt  }
0x6b: {  	_ =	shalt  }
0x6c: {  	_ =	shalt  }
0x6d: {  	_ =	shalt  }
0x6e: {  	_ =	shalt  }
0x6f: {  	_ =	shalt  }
0x70: {  	_ =	shalt  }
0x71: {  	_ =	shalt  }
0x72: {  	_ =	shalt  }
0x73: {  	_ =	shalt  }
0x74: {  	_ =	shalt  }
0x75: {  	_ =	shalt  }
0x76: {  	_ =	shalt  }
0x77: {  	_ =	shalt  }
0x78: {  	_ =	shalt  }
0x79: {  	_ =	shalt  }
0x7a: {  	_ =	shalt  }
0x7b: {  	_ =	shalt  }
0x7c: {  	_ =	shalt  }
0x7d: {  	_ =	shalt  }
0x7e: {  	_ =	shalt  }
0x7f: {  	_ =	shalt  }
0x80: {  	_ =	shalt  }
0x81: {  	_ =	shalt  }
0x82: {  	_ =	shalt  }
0x83: {  	_ =	shalt  }
0x84: {  	_ =	shalt  }
0x85: {  	_ =	shalt  }
0x86: {  	_ =	shalt  }
0x87: {  	_ =	shalt  }
.Lfunc_end0:
.L_simem_size_0:
called_computation.1_lowered:
.L_overlay_start_0:
0x88: {  	s2 =	sld [smem:$0x3FD9]  }
0x89: {  	s3 =	sld [smem:$0x3FFE];
	_ =	sdelay $0x1  }
0x8a: {  	s1 =	srdreg.scid  }
0x8b: {  	s0 =	sand.u32 $0x1, s1  }
0x8c: {  	s16 =	sshll.u32 s0, $0xA;
	s2 =	sadd.s32 s3, s2  }
0x8d: {  	s2 =	sadd.s32 s2, s16  }
0x8e: {  	[smem:$0x3FBF] =	sst s2  }
0x8f: {  	_ = 	snop  }
0x90: {  	(tm) =	ssettm $0x1  }
0x91: {  	s17 =	sld [smem:$0x3FFB];
	_ =	sdelay $0x3  }
0x92: {  	_ =	strace s17  }
0x93: {  	s2 =	sld [smem:$0x3FFC];
	_ =	sdelay $0x3  }
0x94: {  	_ =	strace s2  }
0x95: {  	s2 =	sld [smem:$0x3FFD];
	_ =	sdelay $0x3  }
0x96: {  	_ =	strace s2  }
0x97: {  	_ =	strace $0x8FFFFFFF  }
0x98: {  	s18 =	sld [smem:$0x3FDB];
	_ =	sdelay $0x1  }
0x99: {  	s19 =	simm.s32 $_scs_section_size  }
0x9a: {  	s4 =	simm.s32 $_size__tile_overlayer_lowered;
	s5 =	simm.s32 $_tile_overlayer_lowered  }
0x9b: {  	s22 =	simm.s32 $0x1BFF;
	s21 =	sshll.u32 s5, $0x1;
	s2 =	sadd.s32 s19, s18  }
0x9c: {  	s6 =	simm.s32 $0x0;
	s20 =	sshll.u32 s4, $0x1;
	s4 =	sadd.s32 s21, s2  }
0x9d: {  	[timem:s6], [sflag:s22] =	dma.local [hbm:s4], s20  }
0x9e: {  	_ =	swait.ge [sflag:s22], s20  }
0x9f: {  	s3 =	ssub.s32 $0x0, s20;
	[sflag:s22] =	ssyncset.done $0x0  }
0xa0: {  	[sflag:s22] =	ssyncadd.s32 s3;
	_ =	sdelay $0x1  }
0xa1: {  	s23 =	simm.s32 $0x1B8B  }
0xa2: {  	_ =	swait.ge [sflag:s23], $0x1  }
0xa3: {  	[sflag:s23] =	ssyncset.done $0x0  }
0xa4: {  	s25 =	simm.s32 $0x1B8E;
	s24 =	sld [smem:$0x3FFE];
	[sflag:s23] =	ssyncadd.s32 $0xFFFFFFFF  }
0xa5: {  	s26 =	simm.s32 $execute0_lowered;
	[smem:$0x3FD2] =	sst s25  }
0xa6: {  	s4 =	sshll.u32 s26, $0x1;
	_ =	strace $0x80000049;
	[dreg:$0x1] =	wrdreg $0xFFFFFFFF  }
0xa7: {  	s28 =	simm.s32 $_size_execute0_lowered;
	s2 =	sadd.s32 s2, s4;
	[dreg:$0x0] =	wrdreg $0x0  }
0xa8: {  	s4 =	sshll.u32 s28, $0x1;
	[dreg:$0x2] =	wrdreg s2  }
0xa9: {  	[dreg:$0x3] =	wrdreg s4  }
0xaa: {  	[dreg:$0x4] =	wrdreg $0xC0  }
0xab: {  	_ =	task [dreg:s6], $0x5FFFF  }
0xac: {  	[dreg:$0x1] =	wrdreg $0xFFFFFFFF  }
0xad: {  	[dreg:$0x0] =	wrdreg $0x60  }
0xae: {  	[dreg:$0x2] =	wrdreg s24  }
0xaf: {  	[dreg:$0x3] =	wrdreg $0xAC000  }
0xb0: {  	[dreg:$0x4] =	wrdreg $0x9  }
0xb1: {  	_ =	task.clear_ibuf [dreg:s6], $0x5FFFF;
	_ =	strace $0x90000049  }
0xb2: {  	s29 =	simm.s32 $0x9;
	_ =	strace $0x8000004B  }
0xb3: {  	_ =	swait.ge [sflag:s29], $0x1  }
0xb4: {  	[sflag:s29] =	ssyncadd.s32 $0xFFFFFFFF  }
0xb5: {  	_ =	strace $0x9000004B  }
0xb6: {  	_ =	sfence  }
0xb7: {  	s30 =	sld [smem:$0x0];
	_ =	sdelay $0x2  }
0xb8: {  	s31 =	sshll.u32 s1, $0xD;
	s1 =	sshrl.u32 s1, $0x2  }
0xb9: {  	s3 =	sand.u32 $0x4000, s31;
	s1 =	sadd.s32 s1, s30  }
0xba: {  	s0 =	sor.u32 s3, s0;
	s1 =	sshll.u32 s1, $0x11  }
0xbb: {  	s0 =	sor.u32 s1, s0  }
0xbc: {  	s0 =	sadd.s32 $0x8F2B, s0  }
0xbd: {  	[sflag:s0] =	ssyncadd.remote.s32 $0x1  }
0xbe: {  	_ =	sfence.sel $0xFFFF  }
0xbf: {  	[dreg:$0x0] =	wrdreg $0xFFFFFFFF;
	(pc) =	sbr.abs _section_cstart, $3  }
0xc0: {  	[dreg:$0x1] =	wrdreg $0xFFFFFFFF  }
0xc1: {  	_ =	task.clear_ibuf [dreg:s6], $0x2FFFF;
	_ =	strace $0x9FFFFFFF  }
0xc2: {  	(tm) =	ssettm $0x7FFFFFFF  }
0xc3: {  	_ =	shalt  }
tec
execute0_lowered:
.L_overlay_start_1:
0x0: {  	(tag) =	ssettag $0x1  }
0x1: {  	s6 =	rddreg [dreg:$0x0]  }
0x2: {  	s0 =	srdreg.scid;
	s2 =	rddreg [dreg:$0x1]  }
0x3: {  	s3 =	simm.s32 $0x0;
	s13 =	simm.s32 $0x5;
	s14 =	simm.s32 $0x1400  }
0x4: {  	s15 =	simm.s32 $0x80;
	s16 =	simm.s32 $0x2800;
	s17 =	simm.s32 $0x6800  }
0x5: {  	s18 =	simm.s32 $0x1;
	s19 =	simm.s32 $0x2;
	s5 =	sand.u32 $0x1, s0  }
0x6: {  	s20 =	simm.s32 $0x3;
	s0 =	stileid.u32;
	s8 =	smul.u32 $0x13C000, s5  }
0x7: {  	s21 =	simm.s32 $0x4;
	s1 =	sshll.u32 s5, $0x4;
	s9 =	smul.u32 $0x13C00, s0  }
0x8: {  	[smem:$0x7FF] =	sst s3;
	s28 =	smul.u32 $0x4F000, s0;
	s1 =	sor.u32 s0, s1  }
0x9: {  	s4 =	sadd.s32 $0x16A00, s6;
	s5 =	ssub.s32 $0x2, s5;
	s7 =	smul.u32 $0x2800, s1  }
0xa: {  	s30 =	sshrl.u32 s5, $0x1;
	s1 =	rddreg [dreg:$0x2];
	_ =	strace $0x8000004A  }
0xb: {  	s8 =	sadd.s32 s9, s8;
	s31 =	sshrl.u32 s28, $0x2;
	s7 =	sshrl.u32 s7, $0x3  }
0xc: {  	s12 =	ssub.s32 s5, s30;
	s29 =	sshrl.u32 s8, $0x3;
	s10 =	sadd.s32 s7, s6  }
0xd: {  	s5 =	sadd.s32 s31, s2;
	s11 =	sadd.s32 s29, s6;
	s6 =	sadd.s32 $0x2A00, s10  }
0xe: {  	s7 =	sadd.s32 $0xCA00, s10;
	s8 =	sadd.s32 $0x2C80, s10;
	s9 =	sadd.s32 $0xCC80, s10  }
0xf: {  	v0 =	vimm.f32 $0.0e+00;
	s10 =	sadd.s32 $0x3DC00, s11;
	s11 =	smax.u32 s12, $0x1;
	s12 =	simm.s32 $0xA800  }
.LBB2_1:
0x10: {  	s22 =	simm.s32 $0x0;
	s23 =	simm.s32 $0x0  }
.LBB2_2:
0x11: {  	p0 =	sne.s32 s23, $0xFC0  }
.Ltmp0:
0x12: {  	_ = 	snop;
	(pc) =	sbr.rel @p0 .LBB2_2-.Ltmp0, $4  }
0x13: {  	s24 =	sand.u32 $0xE00, s23  }
0x14: {  	s25 =	sand.u32 $0x70, s22;
	s24 =	sshrl.u32 s24, $0x2  }
0x15: {  	s24 =	sor.u32 s25, s24  }
0x16: {  	s22 =	sadd.s32 $0x10, s22;
	s23 =	sadd.s32 $0x40, s23;
	[tilespmem:s24+$0xA800] =	vst v0  }
0x17: {  	s22 =	sadd.s32 $0x0, s5  }
0x18: {  	[spmem:s22] =	stream.linear.scatter [tilespmem:s12], [sflag:$0x5], $0x400, $0x38;
	[tilespmem:$0x1E800] =	vst v63  }
0x19: {  	s22 =	simm.s32 $0x1000;
	_ =	swait.ge [sflag:s13], $0x400  }
.LBB2_4:
0x1a: {  	s23 =	sshra.s32 s22, $0x2;
	[sflag:s13] =	ssyncset.done $0x0;
	p0 =	sne.s32 s22, $0x4E000  }
.Ltmp1:
0x1b: {  	s23 =	sadd.s32 s23, s5;
	[sflag:s13] =	ssyncadd.s32 $0xFFFFFC00;
	(pc) =	sbr.rel @p0 .LBB2_4-.Ltmp1, $3  }
0x1c: {  	[spmem:s23] =	stream.linear.scatter [tilespmem:s12], [sflag:$0x5], $0x400, $0x38;
	[tilespmem:$0x1E800] =	vst v63  }
0x1d: {  	s22 =	sadd.s32 $0x1000, s22;
	_ =	sdelay $0x1  }
0x1e: {  	_ =	swait.ge [sflag:s13], $0x400  }
0x1f: {  	[sflag:s13] =	ssyncset.done $0x0  }
0x20: {  	[sflag:s13] =	ssyncadd.s32 $0xFFFFFC00  }
0x21: {  	s22 =	simm.s32 $0x0;
	[bflag:$0x0] =	sbarrier.arrive $0xFFFF  }
0x22: {  	[tilespmem:s22], [sflag:$0x5] =	stream.linear.gather [hbm4b:s6+s22], $0x1400, $0x38;
	[tilespmem:$0x1E800] =	vst v63  }
0x23: {  	_ =	swait.ge [sflag:s13], $0x1400  }
0x24: {  	[sflag:s13] =	ssyncset.done $0x0  }
0x25: {  	[sflag:s13] =	ssyncadd.s32 $0xFFFFEC00  }
0x26: {  	[tilespmem:s14], [sflag:$0x5] =	stream.linear.gather [hbm4b:s7+s22], $0x1400, $0x38;
	[tilespmem:$0x1E800] =	vst v63  }
0x27: {  	_ =	swait.ge [sflag:s13], $0x1400  }
0x28: {  	[sflag:s13] =	ssyncset.done $0x0  }
0x29: {  	s28 =	simm.s32 $0x0;
	[sflag:s13] =	ssyncadd.s32 $0xFFFFEC00  }
0x2a: {  	[tilespmem:s16], [sflag:$0x1] =	stream.indirect.gather [hbm4b:s4+s15], $0x80, s28, s15, $0xb8;
	[tilespmem:$0x1E800] =	vst v63  }
0x2b: {  	s29 =	simm.s32 $0x80  }
0x2c: {  	[tilespmem:s17], [sflag:$0x2] =	stream.indirect.gather [hbm4b:s4+s15], $0x80, s29, s15, $0xb8;
	[tilespmem:$0x1E800] =	vst v63  }
0x2d: {  	_ =	swait.ge [sflag:s18], $0x4000  }
0x2e: {  	[sflag:s18] =	ssyncset.done $0x0  }
0x2f: {  	s30 =	simm.s32 $0x1400;
	[sflag:s18] =	ssyncadd.s32 $0xFFFFC000  }
0x30: {  	[spmem:s2] =	stream.indirect.scatter.add.f32 [tilespmem:s16], [sflag:$0x3], $0x80, s30, s15, $0xb8;
	[tilespmem:$0x1E800] =	vst v63  }
0x31: {  	_ =	swait.ge [sflag:s19], $0x4000  }
0x32: {  	[sflag:s19] =	ssyncset.done $0x0  }
0x33: {  	s31 =	simm.s32 $0x1480;
	[sflag:s19] =	ssyncadd.s32 $0xFFFFC000  }
0x34: {  	[spmem:s2] =	stream.indirect.scatter.add.f32 [tilespmem:s17], [sflag:$0x4], $0x80, s31, s15, $0xb8;
	[tilespmem:$0x1E800] =	vst v63  }
0x35: {  	_ =	swait.ge [sflag:s20], $0x4000  }
0x36: {  	[sflag:s20] =	ssyncset.done $0x0  }
0x37: {  	[sflag:s20] =	ssyncadd.s32 $0xFFFFC000  }
0x38: {  	_ =	swait.ge [sflag:s21], $0x4000  }
0x39: {  	s23 =	simm.s32 $0x800;
	s22 =	simm.s32 $0x400;
	[sflag:s21] =	ssyncset.done $0x0  }
.LBB2_6:
0x3a: {  	s24 =	sshra.s32 s22, $0x2  }
0x3b: {  	[sflag:s21] =	ssyncadd.s32 $0xFFFFC000;
	s22 =	smov.u32 s23;
	s25 =	sadd.s32 $0x400, s23  }
0x3c: {  	[tilespmem:s16], [sflag:$0x1] =	stream.indirect.gather [hbm4b:s4+s15], $0x80, s24, s15, $0xb8;
	[tilespmem:$0x1E800] =	vst v63  }
0x3d: {  	p0 =	sne.s32 s23, $0x4C00;
	s23 =	sadd.s32 $0x80, s24  }
0x3e: {  	[tilespmem:s17], [sflag:$0x2] =	stream.indirect.gather [hbm4b:s4+s15], $0x80, s23, s15, $0xb8;
	[tilespmem:$0x1E800] =	vst v63  }
0x3f: {  	_ =	swait.ge [sflag:s18], $0x4000  }
0x40: {  	[sflag:s18] =	ssyncset.done $0x0  }
0x41: {  	s23 =	sadd.s32 $0x1400, s24;
	[sflag:s18] =	ssyncadd.s32 $0xFFFFC000  }
0x42: {  	[spmem:s2] =	stream.indirect.scatter.add.f32 [tilespmem:s16], [sflag:$0x3], $0x80, s23, s15, $0xb8;
	[tilespmem:$0x1E800] =	vst v63  }
0x43: {  	_ =	swait.ge [sflag:s19], $0x4000  }
0x44: {  	[sflag:s19] =	ssyncset.done $0x0  }
0x45: {  	s23 =	sadd.s32 $0x1480, s24;
	[sflag:s19] =	ssyncadd.s32 $0xFFFFC000  }
0x46: {  	[spmem:s2] =	stream.indirect.scatter.add.f32 [tilespmem:s17], [sflag:$0x4], $0x80, s23, s15, $0xb8;
	[tilespmem:$0x1E800] =	vst v63  }
.Ltmp2:
0x47: {  	_ =	swait.ge [sflag:s20], $0x4000;
	(pc) =	sbr.rel @p0 .LBB2_6-.Ltmp2, $4  }
0x48: {  	[sflag:s20] =	ssyncset.done $0x0  }
0x49: {  	[sflag:s20] =	ssyncadd.s32 $0xFFFFC000  }
0x4a: {  	_ =	swait.ge [sflag:s21], $0x4000  }
0x4b: {  	s23 =	smov.u32 s25;
	[sflag:s21] =	ssyncset.done $0x0  }
0x4c: {  	s22 =	sshra.s32 s22, $0x2;
	[sflag:s21] =	ssyncadd.s32 $0xFFFFC000  }
0x4d: {  	[tilespmem:s16], [sflag:$0x1] =	stream.indirect.gather [hbm4b:s4+s15], $0x80, s22, s15, $0xb8;
	[tilespmem:$0x1E800] =	vst v63  }
0x4e: {  	s23 =	sadd.s32 $0x80, s22  }
0x4f: {  	[tilespmem:s17], [sflag:$0x2] =	stream.indirect.gather [hbm4b:s4+s15], $0x80, s23, s15, $0xb8;
	[tilespmem:$0x1E800] =	vst v63  }
0x50: {  	_ =	swait.ge [sflag:s18], $0x4000  }
0x51: {  	[sflag:s18] =	ssyncset.done $0x0  }
0x52: {  	s25 =	sadd.s32 $0x1400, s22;
	[sflag:s18] =	ssyncadd.s32 $0xFFFFC000  }
0x53: {  	[spmem:s2] =	stream.indirect.scatter.add.f32 [tilespmem:s16], [sflag:$0x3], $0x80, s25, s15, $0xb8;
	[tilespmem:$0x1E800] =	vst v63  }
0x54: {  	_ =	swait.ge [sflag:s19], $0x4000  }
0x55: {  	[sflag:s19] =	ssyncset.done $0x0  }
0x56: {  	s22 =	sadd.s32 $0x1480, s22;
	[sflag:s19] =	ssyncadd.s32 $0xFFFFC000  }
0x57: {  	[spmem:s2] =	stream.indirect.scatter.add.f32 [tilespmem:s17], [sflag:$0x4], $0x80, s22, s15, $0xb8;
	[tilespmem:$0x1E800] =	vst v63  }
0x58: {  	_ =	swait.ge [sflag:s20], $0x4000  }
0x59: {  	[sflag:s20] =	ssyncset.done $0x0  }
0x5a: {  	[sflag:s20] =	ssyncadd.s32 $0xFFFFC000  }
0x5b: {  	_ =	swait.ge [sflag:s21], $0x4000  }
0x5c: {  	[sflag:s21] =	ssyncset.done $0x0  }
0x5d: {  	s26 =	simm.s32 $0x0;
	[sflag:s21] =	ssyncadd.s32 $0xFFFFC000  }
0x5e: {  	[tilespmem:s26], [sflag:$0x5] =	stream.linear.gather [hbm4b:s8+s26], $0x1400, $0x38;
	[tilespmem:$0x1E800] =	vst v63  }
0x5f: {  	_ =	swait.ge [sflag:s13], $0x1400  }
0x60: {  	[sflag:s13] =	ssyncset.done $0x0  }
0x61: {  	[sflag:s13] =	ssyncadd.s32 $0xFFFFEC00  }
0x62: {  	[tilespmem:s14], [sflag:$0x5] =	stream.linear.gather [hbm4b:s9+s26], $0x1400, $0x38;
	[tilespmem:$0x1E800] =	vst v63  }
0x63: {  	_ =	swait.ge [sflag:s13], $0x1400  }
0x64: {  	[sflag:s13] =	ssyncset.done $0x0  }
0x65: {  	s28 =	simm.s32 $0x0;
	[sflag:s13] =	ssyncadd.s32 $0xFFFFEC00  }
0x66: {  	[tilespmem:s16], [sflag:$0x1] =	stream.indirect.gather [hbm4b:s4+s15], $0x80, s28, s15, $0xb8;
	[tilespmem:$0x1E800] =	vst v63  }
0x67: {  	s29 =	simm.s32 $0x80  }
0x68: {  	[tilespmem:s17], [sflag:$0x2] =	stream.indirect.gather [hbm4b:s4+s15], $0x80, s29, s15, $0xb8;
	[tilespmem:$0x1E800] =	vst v63  }
0x69: {  	_ =	swait.ge [sflag:s18], $0x4000  }
0x6a: {  	[sflag:s18] =	ssyncset.done $0x0  }
0x6b: {  	s30 =	simm.s32 $0x1400;
	[sflag:s18] =	ssyncadd.s32 $0xFFFFC000  }
0x6c: {  	[spmem:s2] =	stream.indirect.scatter.add.f32 [tilespmem:s16], [sflag:$0x3], $0x80, s30, s15, $0xb8;
	[tilespmem:$0x1E800] =	vst v63  }
0x6d: {  	_ =	swait.ge [sflag:s19], $0x4000  }
0x6e: {  	[sflag:s19] =	ssyncset.done $0x0  }
0x6f: {  	s31 =	simm.s32 $0x1480;
	[sflag:s19] =	ssyncadd.s32 $0xFFFFC000  }
0x70: {  	[spmem:s2] =	stream.indirect.scatter.add.f32 [tilespmem:s17], [sflag:$0x4], $0x80, s31, s15, $0xb8;
	[tilespmem:$0x1E800] =	vst v63  }
0x71: {  	_ =	swait.ge [sflag:s20], $0x4000  }
0x72: {  	[sflag:s20] =	ssyncset.done $0x0  }
0x73: {  	[sflag:s20] =	ssyncadd.s32 $0xFFFFC000  }
0x74: {  	_ =	swait.ge [sflag:s21], $0x4000  }
0x75: {  	s23 =	simm.s32 $0x800;
	s22 =	simm.s32 $0x400;
	[sflag:s21] =	ssyncset.done $0x0  }
.LBB2_8:
0x76: {  	s24 =	sshra.s32 s22, $0x2  }
0x77: {  	[sflag:s21] =	ssyncadd.s32 $0xFFFFC000;
	s22 =	smov.u32 s23;
	s25 =	sadd.s32 $0x400, s23  }
0x78: {  	[tilespmem:s16], [sflag:$0x1] =	stream.indirect.gather [hbm4b:s4+s15], $0x80, s24, s15, $0xb8;
	[tilespmem:$0x1E800] =	vst v63  }
0x79: {  	p0 =	sne.s32 s23, $0x4C00;
	s23 =	sadd.s32 $0x80, s24  }
0x7a: {  	[tilespmem:s17], [sflag:$0x2] =	stream.indirect.gather [hbm4b:s4+s15], $0x80, s23, s15, $0xb8;
	[tilespmem:$0x1E800] =	vst v63  }
0x7b: {  	_ =	swait.ge [sflag:s18], $0x4000  }
0x7c: {  	[sflag:s18] =	ssyncset.done $0x0  }
0x7d: {  	s23 =	sadd.s32 $0x1400, s24;
	[sflag:s18] =	ssyncadd.s32 $0xFFFFC000  }
0x7e: {  	[spmem:s2] =	stream.indirect.scatter.add.f32 [tilespmem:s16], [sflag:$0x3], $0x80, s23, s15, $0xb8;
	[tilespmem:$0x1E800] =	vst v63  }
0x7f: {  	_ =	swait.ge [sflag:s19], $0x4000  }
0x80: {  	[sflag:s19] =	ssyncset.done $0x0  }
0x81: {  	s23 =	sadd.s32 $0x1480, s24;
	[sflag:s19] =	ssyncadd.s32 $0xFFFFC000  }
0x82: {  	[spmem:s2] =	stream.indirect.scatter.add.f32 [tilespmem:s17], [sflag:$0x4], $0x80, s23, s15, $0xb8;
	[tilespmem:$0x1E800] =	vst v63  }
.Ltmp3:
0x83: {  	_ =	swait.ge [sflag:s20], $0x4000;
	(pc) =	sbr.rel @p0 .LBB2_8-.Ltmp3, $4  }
0x84: {  	[sflag:s20] =	ssyncset.done $0x0  }
0x85: {  	[sflag:s20] =	ssyncadd.s32 $0xFFFFC000  }
0x86: {  	_ =	swait.ge [sflag:s21], $0x4000  }
0x87: {  	s23 =	smov.u32 s25;
	[sflag:s21] =	ssyncset.done $0x0  }
0x88: {  	s22 =	sshra.s32 s22, $0x2;
	[sflag:s21] =	ssyncadd.s32 $0xFFFFC000  }
0x89: {  	[tilespmem:s16], [sflag:$0x1] =	stream.indirect.gather [hbm4b:s4+s15], $0x80, s22, s15, $0xb8;
	[tilespmem:$0x1E800] =	vst v63  }
0x8a: {  	s23 =	sadd.s32 $0x80, s22  }
0x8b: {  	[tilespmem:s17], [sflag:$0x2] =	stream.indirect.gather [hbm4b:s4+s15], $0x80, s23, s15, $0xb8;
	[tilespmem:$0x1E800] =	vst v63  }
0x8c: {  	_ =	swait.ge [sflag:s18], $0x4000  }
0x8d: {  	[sflag:s18] =	ssyncset.done $0x0  }
0x8e: {  	s29 =	sadd.s32 $0x1400, s22;
	[sflag:s18] =	ssyncadd.s32 $0xFFFFC000  }
0x8f: {  	[spmem:s2] =	stream.indirect.scatter.add.f32 [tilespmem:s16], [sflag:$0x3], $0x80, s29, s15, $0xb8;
	[tilespmem:$0x1E800] =	vst v63  }
0x90: {  	_ =	swait.ge [sflag:s19], $0x4000  }
0x91: {  	[sflag:s19] =	ssyncset.done $0x0  }
0x92: {  	s22 =	sadd.s32 $0x1480, s22;
	[sflag:s19] =	ssyncadd.s32 $0xFFFFC000  }
0x93: {  	[spmem:s2] =	stream.indirect.scatter.add.f32 [tilespmem:s17], [sflag:$0x4], $0x80, s22, s15, $0xb8;
	[tilespmem:$0x1E800] =	vst v63  }
0x94: {  	_ =	swait.ge [sflag:s20], $0x4000  }
0x95: {  	[sflag:s20] =	ssyncset.done $0x0  }
0x96: {  	[sflag:s20] =	ssyncadd.s32 $0xFFFFC000  }
0x97: {  	_ =	swait.ge [sflag:s21], $0x4000  }
0x98: {  	s30 =	sshll.u32 s0, $0x6;
	s3 =	sadd.s32 $0x1, s3;
	[sflag:s21] =	ssyncset.done $0x0  }
0x99: {  	s31 =	sshrl.u32 s5, $0x3;
	p0 =	sne.s32 s3, s11;
	[sflag:s21] =	ssyncadd.s32 $0xFFFFC000  }
.Ltmp4:
0x9a: {  	s22 =	sor.u32 $0x1C05, s30;
	[bflag:$0x0] =	sbarrier.arrive $0xFFFF;
	(pc) =	sbr.rel @p0 .LBB2_1-.Ltmp4, $4  }
0x9b: {  	[hbm:s10], [sflag:s22] =	dma.local [spmem:s31], $0x2780  }
0x9c: {  	_ =	swait.ge [sflag:s13], $0x2780  }
0x9d: {  	[sflag:s13] =	ssyncset.done $0x0  }
0x9e: {  	[sflag:s13] =	ssyncadd.s32 $0xFFFFD880  }
0x9f: {  	_ =	sfence.sel $0x180000  }
0xa0: {  	[bflag:$0x0] =	sbarrier.arrive $0xFFFF  }
0xa1: {  	p0 =	sne.s32 s0, $0x0;
	_ =	strace $0x9000004A  }
0xa2: {  	s0 =	sadd.s32 @!p0 $0x100000, s1;
	[bflag:$0x2] =	sbarrier.arrive $0xFFFF  }
0xa3: {  	[sflag:s0] =	ssyncadd.tile.s32 @!p0 $0x1;
	_ =	shalt  }
.Lfunc_end2:
_tile_overlayer_lowered:
.L_overlay_start_2:
0xa4: {  	(tag) =	ssettag $0x2  }
0xa5: {  	s0 =	rddreg [dreg:$0x0];
	s2 =	stileid.u32  }
0xa6: {  	s1 =	rddreg [dreg:$0x1];
	p0 =	sne.s32 s2, $0x0  }
0xa7: {  	s3 =	rddreg [dreg:$0x2];
	[bflag:$0x3] =	sbarrier.arrive $0xFFFF;
	s2 =	simm.s32 @!p0 $0x1C05  }
0xa8: {  	[timem:s3], [sflag:s2] =	dma.local @!p0 [hbm:s0], s1  }
0xa9: {  	s0 =	simm.s32 @!p0 $0x5  }
0xaa: {  	_ =	swait.ge @!p0 [sflag:s0], s1  }
0xab: {  	s1 =	ssub.s32 @!p0 $0x0, s1;
	[sflag:s0] =	ssyncset.done @!p0 $0x0  }
0xac: {  	[sflag:s0] =	ssyncadd.s32 @!p0 s1  }
0xad: {  	[bflag:$0x3] =	sbarrier.arrive $0xFFFF  }
0xae: {  	_ =	shalt  }

// kernel: kernel.17.cloned.1.call-start
scs
__scs_entry_jumppad:
0x0: {  	(pc) =	sbr.rel $0x88, $3  }
0x1: {  	(tag) =	ssettag $0x0;
	lr =	simm.s32 $0x1  }
0x2: {  	[smem:$0x3F98] =	sst lr;
	_ =	strace $0xD0000000  }
0x3: {  	_ = 	snop  }
0x4: {  	_ = 	snop  }
0x5: {  	_ = 	snop  }
0x6: {  	_ = 	snop  }
0x7: {  	_ = 	snop  }
__scs_overlays_trampoline_lowered:
0x8: {  	[smem:$0x3FA7] =	sst s0  }
0x9: {  	[smem:$0x3FA8] =	sst s1  }
0xa: {  	[smem:$0x3FA9] =	sst s2  }
0xb: {  	[smem:$0x3FAA] =	sst s3  }
0xc: {  	[smem:$0x3FAB] =	sst s4  }
0xd: {  	[smem:$0x3FAC] =	sst s5  }
0xe: {  	[smem:$0x3FAD] =	sst s6  }
0xf: {  	[smem:$0x3FAE] =	sst s7  }
0x10: {  	[smem:$0x3FAF] =	sst s8  }
0x11: {  	[smem:$0x3FB0] =	sst s9;
	s0 =	simm.s32 @!p0 $0x0  }
0x12: {  	s1 =	sld [smem:$0x3F96];
	s0 =	simm.s32 @p0 $0x1  }
0x13: {  	[smem:$0x3FB1] =	sst s0;
	s0 =	simm.s32 @!p1 $0x0  }
0x14: {  	s2 =	sld [smem:$0x3F95];
	s0 =	simm.s32 @p1 $0x1  }
0x15: {  	[smem:$0x3FB2] =	sst s0;
	s0 =	simm.s32 @!p2 $0x0  }
0x16: {  	s3 =	sld [smem:$0x3FDB];
	s0 =	simm.s32 @p2 $0x1  }
0x17: {  	s4 =	simm.s32 $0x1BF5;
	[smem:$0x3FB4] =	sst s0  }
0x18: {  	s0 =	sld [smem:$0x3F97];
	_ =	swait.ge [sflag:s4], $0x0  }
0x19: {  	s7 =	sld [smem:$0x3F98]  }
0x1a: {  	s8 =	sadd.s32 $0xFFFFE003, lr  }
0x1b: {  	s9 =	sadd.s32 $0xFFFFFEF7, lr;
	s5 =	simm.s32 $0xFFFFFFFF;
	p2 =	slt.u32 s8, $0xFFFFF086  }
0x1c: {  	p1 =	slt.u32 s9, $0xF7A;
	s5 =	simm.s32 @!p2 $0x0  }
0x1d: {  	s5 =	simm.s32 @p1 $0x1;
	p0 =	seq.s32 s7, s2  }
0x1e: {  	s7 =	smul.u32 @!p0 $0xF7A, s2;
	p2 =	seq.s32 @!p0 s5, $0x0  }
0x1f: {  	s9 =	smul.u32 $0xF7A, s1;
	s8 =	simm.s32 @!p0 $0x1BF5;
	p2 =	por !p2, p0  }
0x20: {  	[sflag:s8] =	ssyncset.s32 @!p0 $0xFFFFF086;
	s6 =	sadd.s32 @!p0 s3, s7;
	s7 =	simm.s32 @!p0 $0x108  }
0x21: {  	s3 =	sadd.s32 s3, s9;
	s6 =	sadd.s32 @!p0 $0x88, s6;
	s7 =	simm.s32 @p2 $0x1082  }
0x22: {  	[simem:s7], [sflag:s8] =	dma.local @!p0 [hbm:s6], $0xF7A  }
0x23: {  	s9 =	sor.u32 $0xD0000000, s2;
	s6 =	simm.s32 $0x108;
	_ =	swait.ge @!p0 [sflag:s8], $0x0  }
0x24: {  	s3 =	sadd.s32 $0x88, s3;
	s6 =	simm.s32 @!p1 $0x1082;
	[sflag:s4] =	ssyncset.s32 $0xFFFFF086  }
0x25: {  	[simem:s6], [sflag:s4] =	dma.local [hbm:s3], $0xF7A  }
0x26: {  	[smem:$0x3F98] =	sst s1;
	(tag) =	ssettag s2;
	_ =	strace s9  }
0x27: {  	s1 =	sld [smem:$0x3FA8]  }
0x28: {  	s2 =	sld [smem:$0x3FA9]  }
0x29: {  	s4 =	sld [smem:$0x3FAB]  }
0x2a: {  	p0 =	seq.s32 s5, $0x0;
	s5 =	sld [smem:$0x3FAC]  }
0x2b: {  	s6 =	sld [smem:$0x3FAD]  }
0x2c: {  	s7 =	sld [smem:$0x3FAE]  }
0x2d: {  	s3 =	simm.s32 $0x108;
	s8 =	sld [smem:$0x3FAF]  }
0x2e: {  	s3 =	simm.s32 @!p0 $0x1082;
	s9 =	sld [smem:$0x3FB0]  }
0x2f: {  	lr =	sadd.s32 s0, s3;
	s0 =	sld [smem:$0x3FA7]  }
0x30: {  	s3 =	sld [smem:$0x3FAA]  }
0x31: {  	[smem:$0x3FB3] =	sst s10  }
0x32: {  	s10 =	sld [smem:$0x3FB1];
	_ =	sdelay $0x3  }
0x33: {  	p0 =	seq.s32 s10, $0x1;
	s10 =	sld [smem:$0x3FB3];
	_ =	sdelay $0x3  }
0x34: {  	[smem:$0x3FB3] =	sst s10  }
0x35: {  	s10 =	sld [smem:$0x3FB2];
	_ =	sdelay $0x3  }
0x36: {  	p1 =	seq.s32 s10, $0x1;
	s10 =	sld [smem:$0x3FB3];
	_ =	sdelay $0x3  }
0x37: {  	[smem:$0x3FB3] =	sst s10  }
0x38: {  	s10 =	sld [smem:$0x3FB4]  }
0x39: {  	_ = 	snop;
	(pc) =	sbr.ind lr, $3  }
0x3a: {  	_ = 	snop  }
0x3b: {  	_ = 	snop  }
0x3c: {  	p2 =	seq.s32 s10, $0x1;
	s10 =	sld [smem:$0x3FB3]  }
0x3d: {  	_ =	shalt  }
0x3e: {  	_ =	shalt  }
0x3f: {  	_ =	shalt  }
0x40: {  	_ =	shalt  }
0x41: {  	_ =	shalt  }
0x42: {  	_ =	shalt  }
0x43: {  	_ =	shalt  }
0x44: {  	_ =	shalt  }
0x45: {  	_ =	shalt  }
0x46: {  	_ =	shalt  }
0x47: {  	_ =	shalt  }
0x48: {  	_ =	shalt  }
0x49: {  	_ =	shalt  }
0x4a: {  	_ =	shalt  }
0x4b: {  	_ =	shalt  }
0x4c: {  	_ =	shalt  }
0x4d: {  	_ =	shalt  }
0x4e: {  	_ =	shalt  }
0x4f: {  	_ =	shalt  }
0x50: {  	_ =	shalt  }
0x51: {  	_ =	shalt  }
0x52: {  	_ =	shalt  }
0x53: {  	_ =	shalt  }
0x54: {  	_ =	shalt  }
0x55: {  	_ =	shalt  }
0x56: {  	_ =	shalt  }
0x57: {  	_ =	shalt  }
0x58: {  	_ =	shalt  }
0x59: {  	_ =	shalt  }
0x5a: {  	_ =	shalt  }
0x5b: {  	_ =	shalt  }
0x5c: {  	_ =	shalt  }
0x5d: {  	_ =	shalt  }
0x5e: {  	_ =	shalt  }
0x5f: {  	_ =	shalt  }
0x60: {  	_ =	shalt  }
0x61: {  	_ =	shalt  }
0x62: {  	_ =	shalt  }
0x63: {  	_ =	shalt  }
0x64: {  	_ =	shalt  }
0x65: {  	_ =	shalt  }
0x66: {  	_ =	shalt  }
0x67: {  	_ =	shalt  }
0x68: {  	_ =	shalt  }
0x69: {  	_ =	shalt  }
0x6a: {  	_ =	shalt  }
0x6b: {  	_ =	shalt  }
0x6c: {  	_ =	shalt  }
0x6d: {  	_ =	shalt  }
0x6e: {  	_ =	shalt  }
0x6f: {  	_ =	shalt  }
0x70: {  	_ =	shalt  }
0x71: {  	_ =	shalt  }
0x72: {  	_ =	shalt  }
0x73: {  	_ =	shalt  }
0x74: {  	_ =	shalt  }
0x75: {  	_ =	shalt  }
0x76: {  	_ =	shalt  }
0x77: {  	_ =	shalt  }
0x78: {  	_ =	shalt  }
0x79: {  	_ =	shalt  }
0x7a: {  	_ =	shalt  }
0x7b: {  	_ =	shalt  }
0x7c: {  	_ =	shalt  }
0x7d: {  	_ =	shalt  }
0x7e: {  	_ =	shalt  }
0x7f: {  	_ =	shalt  }
0x80: {  	_ =	shalt  }
0x81: {  	_ =	shalt  }
0x82: {  	_ =	shalt  }
0x83: {  	_ =	shalt  }
0x84: {  	_ =	shalt  }
0x85: {  	_ =	shalt  }
0x86: {  	_ =	shalt  }
0x87: {  	_ =	shalt  }
.Lfunc_end0:
.L_simem_size_0:
called_computation.2_lowered:
.L_overlay_start_0:
0x88: {  	s2 =	sld [smem:$0x3FD9]  }
0x89: {  	s3 =	sld [smem:$0x3FFE];
	_ =	sdelay $0x1  }
0x8a: {  	s1 =	srdreg.scid  }
0x8b: {  	s0 =	sand.u32 $0x1, s1  }
0x8c: {  	s16 =	sshll.u32 s0, $0xA;
	s2 =	sadd.s32 s3, s2  }
0x8d: {  	s2 =	sadd.s32 s2, s16  }
0x8e: {  	[smem:$0x3FBF] =	sst s2  }
0x8f: {  	_ = 	snop  }
0x90: {  	(tm) =	ssettm $0x1  }
0x91: {  	s17 =	sld [smem:$0x3FFB];
	_ =	sdelay $0x3  }
0x92: {  	_ =	strace s17  }
0x93: {  	s2 =	sld [smem:$0x3FFC];
	_ =	sdelay $0x3  }
0x94: {  	_ =	strace s2  }
0x95: {  	s2 =	sld [smem:$0x3FFD];
	_ =	sdelay $0x3  }
0x96: {  	_ =	strace s2  }
0x97: {  	_ =	strace $0x8FFFFFFF  }
0x98: {  	s18 =	sld [smem:$0x3FDB];
	_ =	sdelay $0x1  }
0x99: {  	s19 =	simm.s32 $_scs_section_size  }
0x9a: {  	s4 =	simm.s32 $_size__tile_overlayer_lowered;
	s5 =	simm.s32 $_tile_overlayer_lowered  }
0x9b: {  	s22 =	simm.s32 $0x1BFF;
	s21 =	sshll.u32 s5, $0x1;
	s2 =	sadd.s32 s19, s18  }
0x9c: {  	s6 =	simm.s32 $0x0;
	s20 =	sshll.u32 s4, $0x1;
	s4 =	sadd.s32 s21, s2  }
0x9d: {  	[timem:s6], [sflag:s22] =	dma.local [hbm:s4], s20  }
0x9e: {  	_ =	swait.ge [sflag:s22], s20  }
0x9f: {  	s3 =	ssub.s32 $0x0, s20;
	[sflag:s22] =	ssyncset.done $0x0  }
0xa0: {  	[sflag:s22] =	ssyncadd.s32 s3;
	_ =	sdelay $0x1  }
0xa1: {  	s23 =	simm.s32 $0x1B8B  }
0xa2: {  	_ =	swait.ge [sflag:s23], $0x1  }
0xa3: {  	[sflag:s23] =	ssyncset.done $0x0  }
0xa4: {  	s25 =	simm.s32 $0x1B8E;
	s24 =	sld [smem:$0x3FFE];
	[sflag:s23] =	ssyncadd.s32 $0xFFFFFFFF  }
0xa5: {  	s26 =	simm.s32 $execute0_lowered;
	[smem:$0x3FD2] =	sst s25  }
0xa6: {  	s4 =	sshll.u32 s26, $0x1;
	_ =	strace $0x8000004C;
	[dreg:$0x1] =	wrdreg $0xFFFFFFFF  }
0xa7: {  	s28 =	simm.s32 $_size_execute0_lowered;
	s2 =	sadd.s32 s2, s4;
	[dreg:$0x0] =	wrdreg $0x0  }
0xa8: {  	s4 =	sshll.u32 s28, $0x1;
	[dreg:$0x2] =	wrdreg s2  }
0xa9: {  	[dreg:$0x3] =	wrdreg s4  }
0xaa: {  	[dreg:$0x4] =	wrdreg $0xC0  }
0xab: {  	_ =	task [dreg:s6], $0x5FFFF  }
0xac: {  	[dreg:$0x1] =	wrdreg $0xFFFFFFFF  }
0xad: {  	[dreg:$0x0] =	wrdreg $0x60  }
0xae: {  	[dreg:$0x2] =	wrdreg s24  }
0xaf: {  	[dreg:$0x3] =	wrdreg $0xAC000  }
0xb0: {  	[dreg:$0x4] =	wrdreg $0x9  }
0xb1: {  	_ =	task.clear_ibuf [dreg:s6], $0x5FFFF;
	_ =	strace $0x9000004C  }
0xb2: {  	s29 =	simm.s32 $0x9;
	_ =	strace $0x8000004E  }
0xb3: {  	_ =	swait.ge [sflag:s29], $0x1  }
0xb4: {  	[sflag:s29] =	ssyncadd.s32 $0xFFFFFFFF  }
0xb5: {  	_ =	strace $0x9000004E  }
0xb6: {  	_ =	sfence  }
0xb7: {  	s30 =	sld [smem:$0x0];
	_ =	sdelay $0x2  }
0xb8: {  	s31 =	sshll.u32 s1, $0xD;
	s1 =	sshrl.u32 s1, $0x2  }
0xb9: {  	s3 =	sand.u32 $0x4000, s31;
	s1 =	sadd.s32 s1, s30  }
0xba: {  	s0 =	sor.u32 s3, s0;
	s1 =	sshll.u32 s1, $0x11  }
0xbb: {  	s0 =	sor.u32 s1, s0  }
0xbc: {  	s0 =	sadd.s32 $0x8F2B, s0  }
0xbd: {  	[sflag:s0] =	ssyncadd.remote.s32 $0x1  }
0xbe: {  	_ =	sfence.sel $0xFFFF  }
0xbf: {  	[dreg:$0x0] =	wrdreg $0xFFFFFFFF;
	(pc) =	sbr.abs _section_cstart, $3  }
0xc0: {  	[dreg:$0x1] =	wrdreg $0xFFFFFFFF  }
0xc1: {  	_ =	task.clear_ibuf [dreg:s6], $0x2FFFF;
	_ =	strace $0x9FFFFFFF  }
0xc2: {  	(tm) =	ssettm $0x7FFFFFFF  }
0xc3: {  	_ =	shalt  }
tec
execute0_lowered:
.L_overlay_start_1:
0x0: {  	(tag) =	ssettag $0x1  }
0x1: {  	s6 =	rddreg [dreg:$0x0]  }
0x2: {  	s0 =	srdreg.scid;
	s2 =	rddreg [dreg:$0x1]  }
0x3: {  	s3 =	simm.s32 $0x0;
	s13 =	simm.s32 $0x5;
	s14 =	simm.s32 $0x1400  }
0x4: {  	s15 =	simm.s32 $0x80;
	s16 =	simm.s32 $0x2800;
	s17 =	simm.s32 $0x6800  }
0x5: {  	s18 =	simm.s32 $0x1;
	s19 =	simm.s32 $0x2;
	s5 =	sand.u32 $0x1, s0  }
0x6: {  	s20 =	simm.s32 $0x3;
	s0 =	stileid.u32;
	s8 =	smul.u32 $0x13C000, s5  }
0x7: {  	s21 =	simm.s32 $0x4;
	s1 =	sshll.u32 s5, $0x4;
	s9 =	smul.u32 $0x13C00, s0  }
0x8: {  	[smem:$0x7FF] =	sst s3;
	s28 =	smul.u32 $0x4F000, s0;
	s1 =	sor.u32 s0, s1  }
0x9: {  	s4 =	sadd.s32 $0x16A00, s6;
	s5 =	ssub.s32 $0x2, s5;
	s7 =	smul.u32 $0x2800, s1  }
0xa: {  	s30 =	sshrl.u32 s5, $0x1;
	s1 =	rddreg [dreg:$0x2];
	_ =	strace $0x8000004D  }
0xb: {  	s8 =	sadd.s32 s9, s8;
	s31 =	sshrl.u32 s28, $0x2;
	s7 =	sshrl.u32 s7, $0x3  }
0xc: {  	s12 =	ssub.s32 s5, s30;
	s29 =	sshrl.u32 s8, $0x3;
	s10 =	sadd.s32 s7, s6  }
0xd: {  	s5 =	sadd.s32 s31, s2;
	s11 =	sadd.s32 s29, s6;
	s6 =	sadd.s32 $0x2A00, s10  }
0xe: {  	s7 =	sadd.s32 $0xCA00, s10;
	s8 =	sadd.s32 $0x2C80, s10;
	s9 =	sadd.s32 $0xCC80, s10  }
0xf: {  	v0 =	vimm.f32 $0.0e+00;
	s10 =	sadd.s32 $0x3DC00, s11;
	s11 =	smax.u32 s12, $0x1;
	s12 =	simm.s32 $0xA800  }
.LBB2_1:
0x10: {  	s22 =	simm.s32 $0x0;
	s23 =	simm.s32 $0x0  }
.LBB2_2:
0x11: {  	p0 =	sne.s32 s23, $0xFC0  }
.Ltmp0:
0x12: {  	_ = 	snop;
	(pc) =	sbr.rel @p0 .LBB2_2-.Ltmp0, $4  }
0x13: {  	s24 =	sand.u32 $0xE00, s23  }
0x14: {  	s25 =	sand.u32 $0x70, s22;
	s24 =	sshrl.u32 s24, $0x2  }
0x15: {  	s24 =	sor.u32 s25, s24  }
0x16: {  	s22 =	sadd.s32 $0x10, s22;
	s23 =	sadd.s32 $0x40, s23;
	[tilespmem:s24+$0xA800] =	vst v0  }
0x17: {  	s22 =	sadd.s32 $0x0, s5  }
0x18: {  	[spmem:s22] =	stream.linear.scatter [tilespmem:s12], [sflag:$0x5], $0x400, $0x38;
	[tilespmem:$0x1E800] =	vst v63  }
0x19: {  	s22 =	simm.s32 $0x1000;
	_ =	swait.ge [sflag:s13], $0x400  }
.LBB2_4:
0x1a: {  	s23 =	sshra.s32 s22, $0x2;
	[sflag:s13] =	ssyncset.done $0x0;
	p0 =	sne.s32 s22, $0x4E000  }
.Ltmp1:
0x1b: {  	s23 =	sadd.s32 s23, s5;
	[sflag:s13] =	ssyncadd.s32 $0xFFFFFC00;
	(pc) =	sbr.rel @p0 .LBB2_4-.Ltmp1, $3  }
0x1c: {  	[spmem:s23] =	stream.linear.scatter [tilespmem:s12], [sflag:$0x5], $0x400, $0x38;
	[tilespmem:$0x1E800] =	vst v63  }
0x1d: {  	s22 =	sadd.s32 $0x1000, s22;
	_ =	sdelay $0x1  }
0x1e: {  	_ =	swait.ge [sflag:s13], $0x400  }
0x1f: {  	[sflag:s13] =	ssyncset.done $0x0  }
0x20: {  	[sflag:s13] =	ssyncadd.s32 $0xFFFFFC00  }
0x21: {  	s22 =	simm.s32 $0x0;
	[bflag:$0x0] =	sbarrier.arrive $0xFFFF  }
0x22: {  	[tilespmem:s22], [sflag:$0x5] =	stream.linear.gather [hbm4b:s6+s22], $0x1400, $0x38;
	[tilespmem:$0x1E800] =	vst v63  }
0x23: {  	_ =	swait.ge [sflag:s13], $0x1400  }
0x24: {  	[sflag:s13] =	ssyncset.done $0x0  }
0x25: {  	[sflag:s13] =	ssyncadd.s32 $0xFFFFEC00  }
0x26: {  	[tilespmem:s14], [sflag:$0x5] =	stream.linear.gather [hbm4b:s7+s22], $0x1400, $0x38;
	[tilespmem:$0x1E800] =	vst v63  }
0x27: {  	_ =	swait.ge [sflag:s13], $0x1400  }
0x28: {  	[sflag:s13] =	ssyncset.done $0x0  }
0x29: {  	s28 =	simm.s32 $0x0;
	[sflag:s13] =	ssyncadd.s32 $0xFFFFEC00  }
0x2a: {  	[tilespmem:s16], [sflag:$0x1] =	stream.indirect.gather [hbm4b:s4+s15], $0x80, s28, s15, $0xb8;
	[tilespmem:$0x1E800] =	vst v63  }
0x2b: {  	s29 =	simm.s32 $0x80  }
0x2c: {  	[tilespmem:s17], [sflag:$0x2] =	stream.indirect.gather [hbm4b:s4+s15], $0x80, s29, s15, $0xb8;
	[tilespmem:$0x1E800] =	vst v63  }
0x2d: {  	_ =	swait.ge [sflag:s18], $0x4000  }
0x2e: {  	[sflag:s18] =	ssyncset.done $0x0  }
0x2f: {  	s30 =	simm.s32 $0x1400;
	[sflag:s18] =	ssyncadd.s32 $0xFFFFC000  }
0x30: {  	[spmem:s2] =	stream.indirect.scatter.add.f32 [tilespmem:s16], [sflag:$0x3], $0x80, s30, s15, $0xb8;
	[tilespmem:$0x1E800] =	vst v63  }
0x31: {  	_ =	swait.ge [sflag:s19], $0x4000  }
0x32: {  	[sflag:s19] =	ssyncset.done $0x0  }
0x33: {  	s31 =	simm.s32 $0x1480;
	[sflag:s19] =	ssyncadd.s32 $0xFFFFC000  }
0x34: {  	[spmem:s2] =	stream.indirect.scatter.add.f32 [tilespmem:s17], [sflag:$0x4], $0x80, s31, s15, $0xb8;
	[tilespmem:$0x1E800] =	vst v63  }
0x35: {  	_ =	swait.ge [sflag:s20], $0x4000  }
0x36: {  	[sflag:s20] =	ssyncset.done $0x0  }
0x37: {  	[sflag:s20] =	ssyncadd.s32 $0xFFFFC000  }
0x38: {  	_ =	swait.ge [sflag:s21], $0x4000  }
0x39: {  	s23 =	simm.s32 $0x800;
	s22 =	simm.s32 $0x400;
	[sflag:s21] =	ssyncset.done $0x0  }
.LBB2_6:
0x3a: {  	s24 =	sshra.s32 s22, $0x2  }
0x3b: {  	[sflag:s21] =	ssyncadd.s32 $0xFFFFC000;
	s22 =	smov.u32 s23;
	s25 =	sadd.s32 $0x400, s23  }
0x3c: {  	[tilespmem:s16], [sflag:$0x1] =	stream.indirect.gather [hbm4b:s4+s15], $0x80, s24, s15, $0xb8;
	[tilespmem:$0x1E800] =	vst v63  }
0x3d: {  	p0 =	sne.s32 s23, $0x4C00;
	s23 =	sadd.s32 $0x80, s24  }
0x3e: {  	[tilespmem:s17], [sflag:$0x2] =	stream.indirect.gather [hbm4b:s4+s15], $0x80, s23, s15, $0xb8;
	[tilespmem:$0x1E800] =	vst v63  }
0x3f: {  	_ =	swait.ge [sflag:s18], $0x4000  }
0x40: {  	[sflag:s18] =	ssyncset.done $0x0  }
0x41: {  	s23 =	sadd.s32 $0x1400, s24;
	[sflag:s18] =	ssyncadd.s32 $0xFFFFC000  }
0x42: {  	[spmem:s2] =	stream.indirect.scatter.add.f32 [tilespmem:s16], [sflag:$0x3], $0x80, s23, s15, $0xb8;
	[tilespmem:$0x1E800] =	vst v63  }
0x43: {  	_ =	swait.ge [sflag:s19], $0x4000  }
0x44: {  	[sflag:s19] =	ssyncset.done $0x0  }
0x45: {  	s23 =	sadd.s32 $0x1480, s24;
	[sflag:s19] =	ssyncadd.s32 $0xFFFFC000  }
0x46: {  	[spmem:s2] =	stream.indirect.scatter.add.f32 [tilespmem:s17], [sflag:$0x4], $0x80, s23, s15, $0xb8;
	[tilespmem:$0x1E800] =	vst v63  }
.Ltmp2:
0x47: {  	_ =	swait.ge [sflag:s20], $0x4000;
	(pc) =	sbr.rel @p0 .LBB2_6-.Ltmp2, $4  }
0x48: {  	[sflag:s20] =	ssyncset.done $0x0  }
0x49: {  	[sflag:s20] =	ssyncadd.s32 $0xFFFFC000  }
0x4a: {  	_ =	swait.ge [sflag:s21], $0x4000  }
0x4b: {  	s23 =	smov.u32 s25;
	[sflag:s21] =	ssyncset.done $0x0  }
0x4c: {  	s22 =	sshra.s32 s22, $0x2;
	[sflag:s21] =	ssyncadd.s32 $0xFFFFC000  }
0x4d: {  	[tilespmem:s16], [sflag:$0x1] =	stream.indirect.gather [hbm4b:s4+s15], $0x80, s22, s15, $0xb8;
	[tilespmem:$0x1E800] =	vst v63  }
0x4e: {  	s23 =	sadd.s32 $0x80, s22  }
0x4f: {  	[tilespmem:s17], [sflag:$0x2] =	stream.indirect.gather [hbm4b:s4+s15], $0x80, s23, s15, $0xb8;
	[tilespmem:$0x1E800] =	vst v63  }
0x50: {  	_ =	swait.ge [sflag:s18], $0x4000  }
0x51: {  	[sflag:s18] =	ssyncset.done $0x0  }
0x52: {  	s25 =	sadd.s32 $0x1400, s22;
	[sflag:s18] =	ssyncadd.s32 $0xFFFFC000  }
0x53: {  	[spmem:s2] =	stream.indirect.scatter.add.f32 [tilespmem:s16], [sflag:$0x3], $0x80, s25, s15, $0xb8;
	[tilespmem:$0x1E800] =	vst v63  }
0x54: {  	_ =	swait.ge [sflag:s19], $0x4000  }
0x55: {  	[sflag:s19] =	ssyncset.done $0x0  }
0x56: {  	s22 =	sadd.s32 $0x1480, s22;
	[sflag:s19] =	ssyncadd.s32 $0xFFFFC000  }
0x57: {  	[spmem:s2] =	stream.indirect.scatter.add.f32 [tilespmem:s17], [sflag:$0x4], $0x80, s22, s15, $0xb8;
	[tilespmem:$0x1E800] =	vst v63  }
0x58: {  	_ =	swait.ge [sflag:s20], $0x4000  }
0x59: {  	[sflag:s20] =	ssyncset.done $0x0  }
0x5a: {  	[sflag:s20] =	ssyncadd.s32 $0xFFFFC000  }
0x5b: {  	_ =	swait.ge [sflag:s21], $0x4000  }
0x5c: {  	[sflag:s21] =	ssyncset.done $0x0  }
0x5d: {  	s26 =	simm.s32 $0x0;
	[sflag:s21] =	ssyncadd.s32 $0xFFFFC000  }
0x5e: {  	[tilespmem:s26], [sflag:$0x5] =	stream.linear.gather [hbm4b:s8+s26], $0x1400, $0x38;
	[tilespmem:$0x1E800] =	vst v63  }
0x5f: {  	_ =	swait.ge [sflag:s13], $0x1400  }
0x60: {  	[sflag:s13] =	ssyncset.done $0x0  }
0x61: {  	[sflag:s13] =	ssyncadd.s32 $0xFFFFEC00  }
0x62: {  	[tilespmem:s14], [sflag:$0x5] =	stream.linear.gather [hbm4b:s9+s26], $0x1400, $0x38;
	[tilespmem:$0x1E800] =	vst v63  }
0x63: {  	_ =	swait.ge [sflag:s13], $0x1400  }
0x64: {  	[sflag:s13] =	ssyncset.done $0x0  }
0x65: {  	s28 =	simm.s32 $0x0;
	[sflag:s13] =	ssyncadd.s32 $0xFFFFEC00  }
0x66: {  	[tilespmem:s16], [sflag:$0x1] =	stream.indirect.gather [hbm4b:s4+s15], $0x80, s28, s15, $0xb8;
	[tilespmem:$0x1E800] =	vst v63  }
0x67: {  	s29 =	simm.s32 $0x80  }
0x68: {  	[tilespmem:s17], [sflag:$0x2] =	stream.indirect.gather [hbm4b:s4+s15], $0x80, s29, s15, $0xb8;
	[tilespmem:$0x1E800] =	vst v63  }
0x69: {  	_ =	swait.ge [sflag:s18], $0x4000  }
0x6a: {  	[sflag:s18] =	ssyncset.done $0x0  }
0x6b: {  	s30 =	simm.s32 $0x1400;
	[sflag:s18] =	ssyncadd.s32 $0xFFFFC000  }
0x6c: {  	[spmem:s2] =	stream.indirect.scatter.add.f32 [tilespmem:s16], [sflag:$0x3], $0x80, s30, s15, $0xb8;
	[tilespmem:$0x1E800] =	vst v63  }
0x6d: {  	_ =	swait.ge [sflag:s19], $0x4000  }
0x6e: {  	[sflag:s19] =	ssyncset.done $0x0  }
0x6f: {  	s31 =	simm.s32 $0x1480;
	[sflag:s19] =	ssyncadd.s32 $0xFFFFC000  }
0x70: {  	[spmem:s2] =	stream.indirect.scatter.add.f32 [tilespmem:s17], [sflag:$0x4], $0x80, s31, s15, $0xb8;
	[tilespmem:$0x1E800] =	vst v63  }
0x71: {  	_ =	swait.ge [sflag:s20], $0x4000  }
0x72: {  	[sflag:s20] =	ssyncset.done $0x0  }
0x73: {  	[sflag:s20] =	ssyncadd.s32 $0xFFFFC000  }
0x74: {  	_ =	swait.ge [sflag:s21], $0x4000  }
0x75: {  	s23 =	simm.s32 $0x800;
	s22 =	simm.s32 $0x400;
	[sflag:s21] =	ssyncset.done $0x0  }
.LBB2_8:
0x76: {  	s24 =	sshra.s32 s22, $0x2  }
0x77: {  	[sflag:s21] =	ssyncadd.s32 $0xFFFFC000;
	s22 =	smov.u32 s23;
	s25 =	sadd.s32 $0x400, s23  }
0x78: {  	[tilespmem:s16], [sflag:$0x1] =	stream.indirect.gather [hbm4b:s4+s15], $0x80, s24, s15, $0xb8;
	[tilespmem:$0x1E800] =	vst v63  }
0x79: {  	p0 =	sne.s32 s23, $0x4C00;
	s23 =	sadd.s32 $0x80, s24  }
0x7a: {  	[tilespmem:s17], [sflag:$0x2] =	stream.indirect.gather [hbm4b:s4+s15], $0x80, s23, s15, $0xb8;
	[tilespmem:$0x1E800] =	vst v63  }
0x7b: {  	_ =	swait.ge [sflag:s18], $0x4000  }
0x7c: {  	[sflag:s18] =	ssyncset.done $0x0  }
0x7d: {  	s23 =	sadd.s32 $0x1400, s24;
	[sflag:s18] =	ssyncadd.s32 $0xFFFFC000  }
0x7e: {  	[spmem:s2] =	stream.indirect.scatter.add.f32 [tilespmem:s16], [sflag:$0x3], $0x80, s23, s15, $0xb8;
	[tilespmem:$0x1E800] =	vst v63  }
0x7f: {  	_ =	swait.ge [sflag:s19], $0x4000  }
0x80: {  	[sflag:s19] =	ssyncset.done $0x0  }
0x81: {  	s23 =	sadd.s32 $0x1480, s24;
	[sflag:s19] =	ssyncadd.s32 $0xFFFFC000  }
0x82: {  	[spmem:s2] =	stream.indirect.scatter.add.f32 [tilespmem:s17], [sflag:$0x4], $0x80, s23, s15, $0xb8;
	[tilespmem:$0x1E800] =	vst v63  }
.Ltmp3:
0x83: {  	_ =	swait.ge [sflag:s20], $0x4000;
	(pc) =	sbr.rel @p0 .LBB2_8-.Ltmp3, $4  }
0x84: {  	[sflag:s20] =	ssyncset.done $0x0  }
0x85: {  	[sflag:s20] =	ssyncadd.s32 $0xFFFFC000  }
0x86: {  	_ =	swait.ge [sflag:s21], $0x4000  }
0x87: {  	s23 =	smov.u32 s25;
	[sflag:s21] =	ssyncset.done $0x0  }
0x88: {  	s22 =	sshra.s32 s22, $0x2;
	[sflag:s21] =	ssyncadd.s32 $0xFFFFC000  }
0x89: {  	[tilespmem:s16], [sflag:$0x1] =	stream.indirect.gather [hbm4b:s4+s15], $0x80, s22, s15, $0xb8;
	[tilespmem:$0x1E800] =	vst v63  }
0x8a: {  	s23 =	sadd.s32 $0x80, s22  }
0x8b: {  	[tilespmem:s17], [sflag:$0x2] =	stream.indirect.gather [hbm4b:s4+s15], $0x80, s23, s15, $0xb8;
	[tilespmem:$0x1E800] =	vst v63  }
0x8c: {  	_ =	swait.ge [sflag:s18], $0x4000  }
0x8d: {  	[sflag:s18] =	ssyncset.done $0x0  }
0x8e: {  	s29 =	sadd.s32 $0x1400, s22;
	[sflag:s18] =	ssyncadd.s32 $0xFFFFC000  }
0x8f: {  	[spmem:s2] =	stream.indirect.scatter.add.f32 [tilespmem:s16], [sflag:$0x3], $0x80, s29, s15, $0xb8;
	[tilespmem:$0x1E800] =	vst v63  }
0x90: {  	_ =	swait.ge [sflag:s19], $0x4000  }
0x91: {  	[sflag:s19] =	ssyncset.done $0x0  }
0x92: {  	s22 =	sadd.s32 $0x1480, s22;
	[sflag:s19] =	ssyncadd.s32 $0xFFFFC000  }
0x93: {  	[spmem:s2] =	stream.indirect.scatter.add.f32 [tilespmem:s17], [sflag:$0x4], $0x80, s22, s15, $0xb8;
	[tilespmem:$0x1E800] =	vst v63  }
0x94: {  	_ =	swait.ge [sflag:s20], $0x4000  }
0x95: {  	[sflag:s20] =	ssyncset.done $0x0  }
0x96: {  	[sflag:s20] =	ssyncadd.s32 $0xFFFFC000  }
0x97: {  	_ =	swait.ge [sflag:s21], $0x4000  }
0x98: {  	s30 =	sshll.u32 s0, $0x6;
	s3 =	sadd.s32 $0x1, s3;
	[sflag:s21] =	ssyncset.done $0x0  }
0x99: {  	s31 =	sshrl.u32 s5, $0x3;
	p0 =	sne.s32 s3, s11;
	[sflag:s21] =	ssyncadd.s32 $0xFFFFC000  }
.Ltmp4:
0x9a: {  	s22 =	sor.u32 $0x1C05, s30;
	[bflag:$0x0] =	sbarrier.arrive $0xFFFF;
	(pc) =	sbr.rel @p0 .LBB2_1-.Ltmp4, $4  }
0x9b: {  	[hbm:s10], [sflag:s22] =	dma.local [spmem:s31], $0x2780  }
0x9c: {  	_ =	swait.ge [sflag:s13], $0x2780  }
0x9d: {  	[sflag:s13] =	ssyncset.done $0x0  }
0x9e: {  	[sflag:s13] =	ssyncadd.s32 $0xFFFFD880  }
0x9f: {  	_ =	sfence.sel $0x180000  }
0xa0: {  	[bflag:$0x0] =	sbarrier.arrive $0xFFFF  }
0xa1: {  	p0 =	sne.s32 s0, $0x0;
	_ =	strace $0x9000004D  }
0xa2: {  	s0 =	sadd.s32 @!p0 $0x100000, s1;
	[bflag:$0x2] =	sbarrier.arrive $0xFFFF  }
0xa3: {  	[sflag:s0] =	ssyncadd.tile.s32 @!p0 $0x1;
	_ =	shalt  }
.Lfunc_end2:
_tile_overlayer_lowered:
.L_overlay_start_2:
0xa4: {  	(tag) =	ssettag $0x2  }
0xa5: {  	s0 =	rddreg [dreg:$0x0];
	s2 =	stileid.u32  }
0xa6: {  	s1 =	rddreg [dreg:$0x1];
	p0 =	sne.s32 s2, $0x0  }
0xa7: {  	s3 =	rddreg [dreg:$0x2];
	[bflag:$0x3] =	sbarrier.arrive $0xFFFF;
	s2 =	simm.s32 @!p0 $0x1C05  }
0xa8: {  	[timem:s3], [sflag:s2] =	dma.local @!p0 [hbm:s0], s1  }
0xa9: {  	s0 =	simm.s32 @!p0 $0x5  }
0xaa: {  	_ =	swait.ge @!p0 [sflag:s0], s1  }
0xab: {  	s1 =	ssub.s32 @!p0 $0x0, s1;
	[sflag:s0] =	ssyncset.done @!p0 $0x0  }
0xac: {  	[sflag:s0] =	ssyncadd.s32 @!p0 s1  }
0xad: {  	[bflag:$0x3] =	sbarrier.arrive $0xFFFF  }
0xae: {  	_ =	shalt  }

</sc_bundles>
